<compile_context>
chip_gen: v7x
topology: tpu7x:2x2x1
jax: 0.10.2.dev20260603
libtpu: 0.0.44.dev20260713+nightly
codegen_flags: <defaults>
</compile_context>

<pallas_src>
import functools

import jax
import jax.numpy as jnp
from jax import lax
from jax.experimental import pallas as pl
from jax.experimental.pallas import tpu as pltpu
from jax.experimental.pallas import tpu_sc as plsc

N = 10000
D = 128
E = 320000
G = 16
HID = 128
OUT = 128

NC = 2
NS = 16
NW = NC * NS
EPT = E // NW
EPC = E // NC
K = 40
NCH = EPT // K
NBUF = 4
CPB = 50
NBLK = NCH // CPB
NP = 10240
RPT = NP // NS

_MESH = plsc.VectorSubcoreMesh(
    core_axis_name="c", subcore_axis_name="s", num_cores=NC, num_subcores=NS)


@functools.partial(
    pl.kernel,
    out_type=jax.ShapeDtypeStruct((NW, N), jnp.float32),
    mesh=_MESH,
    compiler_params=pltpu.CompilerParams(needs_layout_passes=False),
    scratch_types=[
        pltpu.VMEM((EPT,), jnp.int32),
        pltpu.VMEM((N,), jnp.float32),
    ],
)
def _deg_kernel(dst_hbm, zeros_hbm, out_hbm, idx_v, hist_v):
    c = lax.axis_index("c")
    s = lax.axis_index("s")
    wid = s * NC + c
    pltpu.sync_copy(zeros_hbm, hist_v)
    pltpu.sync_copy(dst_hbm.at[pl.ds(wid * EPT, EPT)], idx_v)
    ones = jnp.full((16,), 1.0, dtype=jnp.float32)

    @pl.loop(0, EPT // 16, unroll=8)
    def _(j):
        idx16 = idx_v[pl.ds(j * 16, 16)]
        plsc.addupdate_scatter(hist_v, [idx16], ones)

    pltpu.sync_copy(hist_v, out_hbm.at[wid])


@functools.partial(
    pl.kernel,
    out_type=jax.ShapeDtypeStruct((NC, NP, HID), jnp.float32),
    mesh=_MESH,
    compiler_params=pltpu.CompilerParams(needs_layout_passes=False),
    scratch_types=[
        pltpu.VMEM((CPB, K), jnp.int32),
        pltpu.VMEM((CPB, K), jnp.int32),
        [pltpu.VMEM((K, HID), jnp.float32)] * NBUF,
        [pltpu.SemaphoreType.DMA] * NBUF,
        [pltpu.SemaphoreType.DMA] * NBUF,
        pltpu.VMEM_SHARED((NP, HID), jnp.float32),
    ],
)
def _agg_kernel(ht_hbm, src_hbm, dst_hbm, zrows_hbm, out_hbm,
                sidxb, didxb, rows, gsem, ssem, acc):
    c = lax.axis_index("c")
    s = lax.axis_index("s")
    wid = c * NS + s
    pltpu.sync_copy(zrows_hbm, acc.at[pl.ds(s * RPT, RPT)])
    plsc.subcore_barrier()

    @pl.loop(0, NBLK)
    def _(blk):
        pltpu.sync_copy(src_hbm.at[wid, blk], sidxb)
        pltpu.sync_copy(dst_hbm.at[wid, blk], didxb)

        pltpu.async_copy(ht_hbm.at[sidxb.at[0]], rows[0], gsem[0])
        pltpu.async_copy(ht_hbm.at[sidxb.at[1]], rows[1], gsem[1])
        pltpu.async_copy(ht_hbm.at[sidxb.at[2]], rows[2], gsem[2])

        @pl.loop(0, CPB)
        def _(i):
            for b in range(NBUF):
                @pl.when(lax.rem(i, NBUF) == b)
                def _(b=b):
                    b3 = (b + 3) % NBUF
                    pltpu.make_async_copy(
                        ht_hbm.at[sidxb.at[0]], rows[b], gsem[b]).wait()
                    pltpu.async_copy(rows[b], acc.at[didxb.at[i]], ssem[b],
                                     add=True)

                    @pl.when(i + 3 < CPB)
                    def _():
                        @pl.when(i >= 1)
                        def _():
                            pltpu.make_async_copy(
                                rows[b3], acc.at[didxb.at[0]],
                                ssem[b3]).wait()

                        pltpu.async_copy(ht_hbm.at[sidxb.at[i + 3]],
                                         rows[b3], gsem[b3])

        for b in range(NBUF):
            pltpu.make_async_copy(rows[b], acc.at[didxb.at[0]],
                                  ssem[b]).wait()

    plsc.subcore_barrier()
    pltpu.sync_copy(acc.at[pl.ds(s * RPT, RPT)],
                    out_hbm.at[c, pl.ds(s * RPT, RPT)])


BR = 5000
GRID = N // BR


def _h1_body(x_ref, w1_ref, h_ref):
    h_ref[...] = jnp.dot(
        x_ref[...], w1_ref[...], preferred_element_type=jnp.float32)


def _mm1_body(hists_ref, h_ref, ht_ref, dinv_ref):
    deg = jnp.sum(hists_ref[...], axis=1) + 1.0
    dinv = lax.rsqrt(deg)
    ht_ref[...] = h_ref[...] * dinv[:, None]
    dinv_ref[...] = dinv[:, None]


def _mid_body(aggp_ref, ht1_ref, dinv_ref, b1_ref, w2_ref, ht2_ref):
    dinv = dinv_ref[...]
    a = aggp_ref[...]
    m = dinv * (a[0] + a[1] + ht1_ref[...]) + b1_ref[...]
    h1r = jnp.maximum(m, 0.0)
    ht2_ref[...] = jnp.dot(
        h1r, w2_ref[...], preferred_element_type=jnp.float32) * dinv


def _pool_body(aggp_ref, ht2_ref, dinv_ref, b2_ref, batch_ref, wh_ref,
               bh_ref, out_ref, psum, pcnt):
    i = pl.program_id(0)

    @pl.when(i == 0)
    def _():
        psum[...] = jnp.zeros_like(psum)
        pcnt[...] = jnp.zeros_like(pcnt)

    a = aggp_ref[...]
    m = dinv_ref[...] * (a[0] + a[1] + ht2_ref[...]) + b2_ref[...]
    gids = lax.broadcasted_iota(jnp.int32, (BR, G), 1)
    oh = (gids == batch_ref[...]).astype(jnp.float32)
    psum[...] += lax.dot_general(
        oh, m, dimension_numbers=(((0,), (0,)), ((), ())),
        preferred_element_type=jnp.float32)
    pcnt[...] += jnp.sum(oh, axis=0)[:, None]

    @pl.when(i == GRID - 1)
    def _():
        pooled = psum[...] / jnp.maximum(pcnt[...], 1.0)
        out_ref[...] = jnp.dot(
            pooled, wh_ref[...], preferred_element_type=jnp.float32) + bh_ref[...]


def _tc_h1(x, W1):
    return pl.pallas_call(
        _h1_body,
        grid=(GRID,),
        in_specs=[
            pl.BlockSpec((BR, D), lambda i: (i, 0)),
            pl.BlockSpec((D, HID), lambda i: (0, 0)),
        ],
        out_specs=pl.BlockSpec((BR, HID), lambda i: (i, 0)),
        out_shape=jax.ShapeDtypeStruct((N, HID), jnp.float32),
    )(x, W1)


def _tc_mm1(hists, h1):
    return pl.pallas_call(
        _mm1_body,
        grid=(GRID,),
        in_specs=[
            pl.BlockSpec((BR, NW), lambda i: (i, 0)),
            pl.BlockSpec((BR, HID), lambda i: (i, 0)),
        ],
        out_specs=[
            pl.BlockSpec((BR, HID), lambda i: (i, 0)),
            pl.BlockSpec((BR, 1), lambda i: (i, 0)),
        ],
        out_shape=[
            jax.ShapeDtypeStruct((N, HID), jnp.float32),
            jax.ShapeDtypeStruct((N, 1), jnp.float32),
        ],
    )(hists, h1)


def _tc_mid(aggp, ht1, dinv, b1, W2):
    return pl.pallas_call(
        _mid_body,
        grid=(GRID,),
        in_specs=[
            pl.BlockSpec((NC, BR, HID), lambda i: (0, i, 0)),
            pl.BlockSpec((BR, HID), lambda i: (i, 0)),
            pl.BlockSpec((BR, 1), lambda i: (i, 0)),
            pl.BlockSpec((1, HID), lambda i: (0, 0)),
            pl.BlockSpec((HID, HID), lambda i: (0, 0)),
        ],
        out_specs=pl.BlockSpec((BR, HID), lambda i: (i, 0)),
        out_shape=jax.ShapeDtypeStruct((N, HID), jnp.float32),
    )(aggp, ht1, dinv, b1, W2)


def _tc_pool(aggp, ht2, dinv, b2, batch2d, Wh, bh):
    return pl.pallas_call(
        _pool_body,
        grid=(GRID,),
        in_specs=[
            pl.BlockSpec((NC, BR, HID), lambda i: (0, i, 0)),
            pl.BlockSpec((BR, HID), lambda i: (i, 0)),
            pl.BlockSpec((BR, 1), lambda i: (i, 0)),
            pl.BlockSpec((1, HID), lambda i: (0, 0)),
            pl.BlockSpec((BR, 1), lambda i: (i, 0)),
            pl.BlockSpec((HID, OUT), lambda i: (0, 0)),
            pl.BlockSpec((1, OUT), lambda i: (0, 0)),
        ],
        out_specs=pl.BlockSpec((G, OUT), lambda i: (0, 0)),
        out_shape=jax.ShapeDtypeStruct((G, OUT), jnp.float32),
        scratch_shapes=[
            pltpu.VMEM((G, HID), jnp.float32),
            pltpu.VMEM((G, 1), jnp.float32),
        ],
    )(aggp, ht2, dinv, b2, batch2d, Wh, bh)


def kernel(x, edge_index, batch, W1, b1, W2, b2, Wh, bh):
    src = edge_index[0]
    dst = edge_index[1]
    zeros1 = jnp.zeros((N,), jnp.float32)
    zrows = jnp.zeros((RPT, HID), jnp.float32)
    b1r = b1.reshape(1, HID)
    b2r = b2.reshape(1, HID)
    bhr = bh.reshape(1, OUT)
    batch2d = batch.reshape(N, 1)

    src3 = src.reshape(NW, NBLK, CPB, K)
    dst3 = dst.reshape(NW, NBLK, CPB, K)

    hists = _deg_kernel(dst, zeros1)
    h1 = _tc_h1(x, W1)
    ht1, dinv = _tc_mm1(hists.T, h1)
    agg1 = _agg_kernel(ht1, src3, dst3, zrows)
    ht2 = _tc_mid(agg1, ht1, dinv, b1r, W2)
    agg2 = _agg_kernel(ht2, src3, dst3, zrows)
    return _tc_pool(agg2, ht2, dinv, b2r, batch2d, Wh, bhr)

# --- scband reference (transcript-rebuilt; emitter-appended) ---
"""Pipeline reference for scband-builtin-gnn-20864951124556 (READ-ONLY COPY).

The authoritative reference and input builder live on the scoring server;
editing this copy changes nothing except your own understanding.
"""

import jax, jax.numpy as jnp
import numpy as np

N = 10000
D = 128
E = 320000
G = 16
HID = 128
OUT = 128


def setup_inputs(seed: int = 0) -> dict:
    key = jax.random.key(seed)
    ks = jax.random.split(key, 10)
    x = jax.random.normal(ks[0], (N, D), dtype=jnp.float32)
    edge_index = jax.random.randint(ks[1], (2, E), 0, N, dtype=jnp.int32)
    batch = jnp.sort(jax.random.randint(ks[2], (N,), 0, G, dtype=jnp.int32))
    s = 1.0 / np.sqrt(D)
    W1 = jax.random.uniform(ks[3], (D, HID), dtype=jnp.float32, minval=-s, maxval=s)
    b1 = jnp.zeros((HID,), dtype=jnp.float32)
    W2 = jax.random.uniform(ks[4], (HID, HID), dtype=jnp.float32, minval=-s, maxval=s)
    b2 = jnp.zeros((HID,), dtype=jnp.float32)
    Wh = jax.random.uniform(ks[5], (HID, OUT), dtype=jnp.float32, minval=-s, maxval=s)
    bh = jnp.zeros((OUT,), dtype=jnp.float32)
    return {"x": x, "edge_index": edge_index, "batch": batch,
            "W1": W1, "b1": b1, "W2": W2, "b2": b2, "Wh": Wh, "bh": bh}


def _gcn_conv(x, edge_index, W, b):
    # GCNConv with added self-loops and symmetric normalization (PyG semantics)
    src = edge_index[0]
    dst = edge_index[1]
    loop = jnp.arange(N, dtype=edge_index.dtype)
    s = jnp.concatenate([src, loop])
    d = jnp.concatenate([dst, loop])
    deg = jnp.zeros((N,), dtype=x.dtype).at[d].add(1.0)
    dinv = jnp.where(deg > 0, jax.lax.rsqrt(jnp.maximum(deg, 1e-12)), 0.0)
    norm = dinv[s] * dinv[d]
    h = x @ W
    out = jnp.zeros((N, W.shape[1]), dtype=x.dtype).at[d].add(h[s] * norm[:, None])
    return out + b


def _global_mean_pool(h, batch):
    sums = jax.ops.segment_sum(h, batch, num_segments=G)
    cnt = jax.ops.segment_sum(jnp.ones((N, 1), dtype=h.dtype), batch, num_segments=G)
    return sums / jnp.maximum(cnt, 1.0)


def reference(x, edge_index, batch, W1, b1, W2, b2, Wh, bh):
    h = jax.nn.relu(_gcn_conv(x, edge_index, W1, b1))
    h = _gcn_conv(h, edge_index, W2, b2)
    pooled = _global_mean_pool(h, batch)
    return pooled @ Wh + bh


if False:  # reference __main__ guard neutralized (emitter)
    out = reference(**setup_inputs())
    print(out.shape)

if __name__ == "__main__":
    import jax
    _d = setup_inputs()
    print(jax.jit(kernel)(*tuple(_d.values())))

</pallas_src>

<mosaic_0001>
#map = affine_map<(d0, d1) -> (0)>
#map1 = affine_map<(d0, d1) -> (0, 0)>
module attributes {stable_mosaic.version = 14 : i64} {
  func.func @_deg_kernel(%arg0: i32, %arg1: i32, %arg2: memref<320000xi32, #tpu.memory_space<hbm>>, %arg3: memref<10000xf32, #tpu.memory_space<hbm>>, %arg4: memref<32x10000xf32, #tpu.memory_space<hbm>>, %arg5: memref<10000xi32, #tpu.memory_space<vmem>>, %arg6: memref<10000xf32, #tpu.memory_space<vmem>>) attributes {dimension_semantics = [#tpu.dimension_semantics<core_parallel>, #tpu.dimension_semantics<subcore_parallel>], iteration_bounds = array<i64: 2, 16>, scalar_prefetch = 0 : i64, scratch_operands = 2 : i64, tpu.core_type = #tpu.core_type<sc_vector_subcore>, window_params = [{transform_indices = #map}, {transform_indices = #map}, {transform_indices = #map1}]} {
    %mul3A = arith.constant 2 : i32
    %mul3A_0 = arith.muli %arg1, %mul3A : i32
    %add3A = arith.addi %mul3A_0, %arg0 : i32
    "tpu.region"() ({
      %run_scoped3A = tpu.sem_alloc : memref<!tpu.dma_semaphore, #tpu.memory_space<semaphore_mem>>
      tpu.enqueue_dma source(%arg3 : memref<10000xf32, #tpu.memory_space<hbm>>) target(%arg6 : memref<10000xf32, #tpu.memory_space<vmem>>) target_semaphore(%run_scoped3A : memref<!tpu.dma_semaphore, #tpu.memory_space<semaphore_mem>>)
      tpu.wait_dma2 semaphore(%run_scoped3A : memref<!tpu.dma_semaphore, #tpu.memory_space<semaphore_mem>>) src(%arg3 : memref<10000xf32, #tpu.memory_space<hbm>>) dst(%arg6 : memref<10000xf32, #tpu.memory_space<vmem>>)
      tpu.yield
    }) : () -> ()
    %mul3A_1 = arith.constant 10000 : i32
    %mul3A_2 = arith.muli %add3A, %mul3A_1 : i32
    "tpu.region"() ({
      %run_scoped3A = tpu.sem_alloc : memref<!tpu.dma_semaphore, #tpu.memory_space<semaphore_mem>>
      %dma_start3A = tpu.memref_slice %arg2[%mul3A_2] : memref<320000xi32, #tpu.memory_space<hbm>> -> memref<10000xi32, #tpu.memory_space<hbm>>
      %dma_start3A_17 = tpu.memref_slice %arg2[%mul3A_2] : memref<320000xi32, #tpu.memory_space<hbm>> -> memref<10000xi32, #tpu.memory_space<hbm>>
      tpu.enqueue_dma source(%dma_start3A_17 : memref<10000xi32, #tpu.memory_space<hbm>>) target(%arg5 : memref<10000xi32, #tpu.memory_space<vmem>>) target_semaphore(%run_scoped3A : memref<!tpu.dma_semaphore, #tpu.memory_space<semaphore_mem>>)
      %dma_wait3A = tpu.memref_slice %arg2[%mul3A_2] : memref<320000xi32, #tpu.memory_space<hbm>> -> memref<10000xi32, #tpu.memory_space<hbm>>
      %dma_wait3A_18 = tpu.memref_slice %arg2[%mul3A_2] : memref<320000xi32, #tpu.memory_space<hbm>> -> memref<10000xi32, #tpu.memory_space<hbm>>
      tpu.wait_dma2 semaphore(%run_scoped3A : memref<!tpu.dma_semaphore, #tpu.memory_space<semaphore_mem>>) src(%dma_wait3A_18 : memref<10000xi32, #tpu.memory_space<hbm>>) dst(%arg5 : memref<10000xi32, #tpu.memory_space<vmem>>)
      tpu.yield
    }) : () -> ()
    %broadcast_in_dim3A = arith.constant 1.000000e+00 : f32
    %broadcast_in_dim3A_3 = vector.broadcast %broadcast_in_dim3A : f32 to vector<16xf32>
    %scan3A = arith.constant 0 : i32
    %scan3A_4 = arith.constant 624 : i32
    %scan3A_5 = arith.addi %scan3A, %scan3A_4 : i32
    %scan3A_6 = arith.constant 8 : i32
    scf.for %scan3A_17 = %scan3A to %scan3A_5 step %scan3A_6  : i32 {
      %mul3A_18 = arith.constant 1 : i32
      %mul3A_19 = arith.muli %scan3A_17, %mul3A_18 : i32
      %add3A_20 = arith.constant 0 : i32
      %add3A_21 = arith.addi %add3A_20, %mul3A_19 : i32
      %mul3A_22 = arith.constant 16 : i32
      %mul3A_23 = arith.muli %add3A_21, %mul3A_22 : i32
      %get3A_24 = arith.index_cast %mul3A_23 : i32 to index
      %get3A_25 = tpu.vector_load %arg5[%get3A_24] {strides = array<i32>} : memref<10000xi32, #tpu.memory_space<vmem>>, vector<16xi32>,
      tpu.vector_store_idx %arg6[%get3A_25], %broadcast_in_dim3A_3 {add = true} : memref<10000xf32, #tpu.memory_space<vmem>>[vector<16xi32>], vector<16xf32>,
      %scan3A_26 = arith.constant 1 : i32
      %scan3A_27 = arith.addi %scan3A_17, %scan3A_26 : i32
      %mul3A_28 = arith.constant 1 : i32
      %mul3A_29 = arith.muli %scan3A_27, %mul3A_28 : i32
      %add3A_30 = arith.constant 0 : i32
      %add3A_31 = arith.addi %add3A_30, %mul3A_29 : i32
      %mul3A_32 = arith.constant 16 : i32
      %mul3A_33 = arith.muli %add3A_31, %mul3A_32 : i32
      %get3A_34 = arith.index_cast %mul3A_33 : i32 to index
      %get3A_35 = tpu.vector_load %arg5[%get3A_34] {strides = array<i32>} : memref<10000xi32, #tpu.memory_space<vmem>>, vector<16xi32>,
      tpu.vector_store_idx %arg6[%get3A_35], %broadcast_in_dim3A_3 {add = true} : memref<10000xf32, #tpu.memory_space<vmem>>[vector<16xi32>], vector<16xf32>,
      %scan3A_36 = arith.constant 2 : i32
      %scan3A_37 = arith.addi %scan3A_17, %scan3A_36 : i32
      %mul3A_38 = arith.constant 1 : i32
      %mul3A_39 = arith.muli %scan3A_37, %mul3A_38 : i32
      %add3A_40 = arith.constant 0 : i32
      %add3A_41 = arith.addi %add3A_40, %mul3A_39 : i32
      %mul3A_42 = arith.constant 16 : i32
      %mul3A_43 = arith.muli %add3A_41, %mul3A_42 : i32
      %get3A_44 = arith.index_cast %mul3A_43 : i32 to index
      %get3A_45 = tpu.vector_load %arg5[%get3A_44] {strides = array<i32>} : memref<10000xi32, #tpu.memory_space<vmem>>, vector<16xi32>,
      tpu.vector_store_idx %arg6[%get3A_45], %broadcast_in_dim3A_3 {add = true} : memref<10000xf32, #tpu.memory_space<vmem>>[vector<16xi32>], vector<16xf32>,
      %scan3A_46 = arith.constant 3 : i32
      %scan3A_47 = arith.addi %scan3A_17, %scan3A_46 : i32
      %mul3A_48 = arith.constant 1 : i32
      %mul3A_49 = arith.muli %scan3A_47, %mul3A_48 : i32
      %add3A_50 = arith.constant 0 : i32
      %add3A_51 = arith.addi %add3A_50, %mul3A_49 : i32
      %mul3A_52 = arith.constant 16 : i32
      %mul3A_53 = arith.muli %add3A_51, %mul3A_52 : i32
      %get3A_54 = arith.index_cast %mul3A_53 : i32 to index
      %get3A_55 = tpu.vector_load %arg5[%get3A_54] {strides = array<i32>} : memref<10000xi32, #tpu.memory_space<vmem>>, vector<16xi32>,
      tpu.vector_store_idx %arg6[%get3A_55], %broadcast_in_dim3A_3 {add = true} : memref<10000xf32, #tpu.memory_space<vmem>>[vector<16xi32>], vector<16xf32>,
      %scan3A_56 = arith.constant 4 : i32
      %scan3A_57 = arith.addi %scan3A_17, %scan3A_56 : i32
      %mul3A_58 = arith.constant 1 : i32
      %mul3A_59 = arith.muli %scan3A_57, %mul3A_58 : i32
      %add3A_60 = arith.constant 0 : i32
      %add3A_61 = arith.addi %add3A_60, %mul3A_59 : i32
      %mul3A_62 = arith.constant 16 : i32
      %mul3A_63 = arith.muli %add3A_61, %mul3A_62 : i32
      %get3A_64 = arith.index_cast %mul3A_63 : i32 to index
      %get3A_65 = tpu.vector_load %arg5[%get3A_64] {strides = array<i32>} : memref<10000xi32, #tpu.memory_space<vmem>>, vector<16xi32>,
      tpu.vector_store_idx %arg6[%get3A_65], %broadcast_in_dim3A_3 {add = true} : memref<10000xf32, #tpu.memory_space<vmem>>[vector<16xi32>], vector<16xf32>,
      %scan3A_66 = arith.constant 5 : i32
      %scan3A_67 = arith.addi %scan3A_17, %scan3A_66 : i32
      %mul3A_68 = arith.constant 1 : i32
      %mul3A_69 = arith.muli %scan3A_67, %mul3A_68 : i32
      %add3A_70 = arith.constant 0 : i32
      %add3A_71 = arith.addi %add3A_70, %mul3A_69 : i32
      %mul3A_72 = arith.constant 16 : i32
      %mul3A_73 = arith.muli %add3A_71, %mul3A_72 : i32
      %get3A_74 = arith.index_cast %mul3A_73 : i32 to index
      %get3A_75 = tpu.vector_load %arg5[%get3A_74] {strides = array<i32>} : memref<10000xi32, #tpu.memory_space<vmem>>, vector<16xi32>,
      tpu.vector_store_idx %arg6[%get3A_75], %broadcast_in_dim3A_3 {add = true} : memref<10000xf32, #tpu.memory_space<vmem>>[vector<16xi32>], vector<16xf32>,
      %scan3A_76 = arith.constant 6 : i32
      %scan3A_77 = arith.addi %scan3A_17, %scan3A_76 : i32
      %mul3A_78 = arith.constant 1 : i32
      %mul3A_79 = arith.muli %scan3A_77, %mul3A_78 : i32
      %add3A_80 = arith.constant 0 : i32
      %add3A_81 = arith.addi %add3A_80, %mul3A_79 : i32
      %mul3A_82 = arith.constant 16 : i32
      %mul3A_83 = arith.muli %add3A_81, %mul3A_82 : i32
      %get3A_84 = arith.index_cast %mul3A_83 : i32 to index
      %get3A_85 = tpu.vector_load %arg5[%get3A_84] {strides = array<i32>} : memref<10000xi32, #tpu.memory_space<vmem>>, vector<16xi32>,
      tpu.vector_store_idx %arg6[%get3A_85], %broadcast_in_dim3A_3 {add = true} : memref<10000xf32, #tpu.memory_space<vmem>>[vector<16xi32>], vector<16xf32>,
      %scan3A_86 = arith.constant 7 : i32
      %scan3A_87 = arith.addi %scan3A_17, %scan3A_86 : i32
      %mul3A_88 = arith.constant 1 : i32
      %mul3A_89 = arith.muli %scan3A_87, %mul3A_88 : i32
      %add3A_90 = arith.constant 0 : i32
      %add3A_91 = arith.addi %add3A_90, %mul3A_89 : i32
      %mul3A_92 = arith.constant 16 : i32
      %mul3A_93 = arith.muli %add3A_91, %mul3A_92 : i32
      %get3A_94 = arith.index_cast %mul3A_93 : i32 to index
      %get3A_95 = tpu.vector_load %arg5[%get3A_94] {strides = array<i32>} : memref<10000xi32, #tpu.memory_space<vmem>>, vector<16xi32>,
      tpu.vector_store_idx %arg6[%get3A_95], %broadcast_in_dim3A_3 {add = true} : memref<10000xf32, #tpu.memory_space<vmem>>[vector<16xi32>], vector<16xf32>,
    }
    %scan3A_7 = arith.constant 624 : i32
    %scan3A_8 = arith.addi %scan3A, %scan3A_7 : i32
    %mul3A_9 = arith.constant 1 : i32
    %mul3A_10 = arith.muli %scan3A_8, %mul3A_9 : i32
    %add3A_11 = arith.constant 0 : i32
    %add3A_12 = arith.addi %add3A_11, %mul3A_10 : i32
    %mul3A_13 = arith.constant 16 : i32
    %mul3A_14 = arith.muli %add3A_12, %mul3A_13 : i32
    %get3A = arith.index_cast %mul3A_14 : i32 to index
    %get3A_15 = tpu.vector_load %arg5[%get3A] {strides = array<i32>} : memref<10000xi32, #tpu.memory_space<vmem>>, vector<16xi32>,
    tpu.vector_store_idx %arg6[%get3A_15], %broadcast_in_dim3A_3 {add = true} : memref<10000xf32, #tpu.memory_space<vmem>>[vector<16xi32>], vector<16xf32>,
    %scan3A_16 = arith.constant 625 : i32
    "tpu.region"() ({
      %run_scoped3A = tpu.sem_alloc : memref<!tpu.dma_semaphore, #tpu.memory_space<semaphore_mem>>
      %dma_start3A = arith.constant 0 : i32
      %dma_start3A_17 = tpu.memref_slice %arg4[%add3A, %dma_start3A] : memref<32x10000xf32, #tpu.memory_space<hbm>> -> memref<1x10000xf32, #tpu.memory_space<hbm>>
      %dma_start3A_18 = tpu.memref_squeeze %dma_start3A_17 : memref<1x10000xf32, #tpu.memory_space<hbm>> -> memref<10000xf32, #tpu.memory_space<hbm>>
      %dma_start3A_19 = arith.constant 0 : i32
      %dma_start3A_20 = tpu.memref_slice %arg4[%add3A, %dma_start3A_19] : memref<32x10000xf32, #tpu.memory_space<hbm>> -> memref<1x10000xf32, #tpu.memory_space<hbm>>
      %dma_start3A_21 = tpu.memref_squeeze %dma_start3A_20 : memref<1x10000xf32, #tpu.memory_space<hbm>> -> memref<10000xf32, #tpu.memory_space<hbm>>
      tpu.enqueue_dma source(%arg6 : memref<10000xf32, #tpu.memory_space<vmem>>) target(%dma_start3A_21 : memref<10000xf32, #tpu.memory_space<hbm>>) target_semaphore(%run_scoped3A : memref<!tpu.dma_semaphore, #tpu.memory_space<semaphore_mem>>)
      %dma_wait3A = arith.constant 0 : i32
      %dma_wait3A_22 = tpu.memref_slice %arg4[%add3A, %dma_wait3A] : memref<32x10000xf32, #tpu.memory_space<hbm>> -> memref<1x10000xf32, #tpu.memory_space<hbm>>
      %dma_wait3A_23 = tpu.memref_squeeze %dma_wait3A_22 : memref<1x10000xf32, #tpu.memory_space<hbm>> -> memref<10000xf32, #tpu.memory_space<hbm>>
      %dma_wait3A_24 = arith.constant 0 : i32
      %dma_wait3A_25 = tpu.memref_slice %arg4[%add3A, %dma_wait3A_24] : memref<32x10000xf32, #tpu.memory_space<hbm>> -> memref<1x10000xf32, #tpu.memory_space<hbm>>
      %dma_wait3A_26 = tpu.memref_squeeze %dma_wait3A_25 : memref<1x10000xf32, #tpu.memory_space<hbm>> -> memref<10000xf32, #tpu.memory_space<hbm>>
      tpu.wait_dma2 semaphore(%run_scoped3A : memref<!tpu.dma_semaphore, #tpu.memory_space<semaphore_mem>>) src(%arg6 : memref<10000xf32, #tpu.memory_space<vmem>>) dst(%dma_wait3A_26 : memref<10000xf32, #tpu.memory_space<hbm>>)
      tpu.yield
    }) : () -> ()
    return
  }
}

#map = affine_map<(d0, d1) -> (0, 0)>
#map1 = affine_map<(d0, d1) -> (0, 0, 0, 0)>
#map2 = affine_map<(d0, d1) -> (0, 0, 0)>
module attributes {stable_mosaic.version = 14 : i64} {
  func.func @_agg_kernel(%arg0: i32, %arg1: i32, %arg2: memref<10000x128xf32, #tpu.memory_space<hbm>>, %arg3: memref<32x5x50x40xi32, #tpu.memory_space<hbm>>, %arg4: memref<32x5x50x40xi32, #tpu.memory_space<hbm>>, %arg5: memref<640x128xf32, #tpu.memory_space<hbm>>, %arg6: memref<2x10240x128xf32, #tpu.memory_space<hbm>>, %arg7: memref<50x40xi32, #tpu.memory_space<vmem>>, %arg8: memref<50x40xi32, #tpu.memory_space<vmem>>, %arg9: memref<40x128xf32, #tpu.memory_space<vmem>>, %arg10: memref<40x128xf32, #tpu.memory_space<vmem>>, %arg11: memref<40x128xf32, #tpu.memory_space<vmem>>, %arg12: memref<40x128xf32, #tpu.memory_space<vmem>>, %arg13: memref<!tpu.dma_semaphore, #tpu.memory_space<semaphore_mem>>, %arg14: memref<!tpu.dma_semaphore, #tpu.memory_space<semaphore_mem>>, %arg15: memref<!tpu.dma_semaphore, #tpu.memory_space<semaphore_mem>>, %arg16: memref<!tpu.dma_semaphore, #tpu.memory_space<semaphore_mem>>, %arg17: memref<!tpu.dma_semaphore, #tpu.memory_space<semaphore_mem>>, %arg18: memref<!tpu.dma_semaphore, #tpu.memory_space<semaphore_mem>>, %arg19: memref<!tpu.dma_semaphore, #tpu.memory_space<semaphore_mem>>, %arg20: memref<!tpu.dma_semaphore, #tpu.memory_space<semaphore_mem>>, %arg21: memref<10240x128xf32, #tpu.memory_space<vmem_shared>>) attributes {dimension_semantics = [#tpu.dimension_semantics<core_parallel>, #tpu.dimension_semantics<subcore_parallel>], iteration_bounds = array<i64: 2, 16>, scalar_prefetch = 0 : i64, scratch_operands = 15 : i64, tpu.core_type = #tpu.core_type<sc_vector_subcore>, window_params = [{transform_indices = #map}, {transform_indices = #map1}, {transform_indices = #map1}, {transform_indices = #map}, {transform_indices = #map2}]} {
    %mul3A = arith.constant 16 : i32
    %mul3A_0 = arith.muli %arg0, %mul3A : i32
    %add3A = arith.addi %mul3A_0, %arg1 : i32
    %mul3A_1 = arith.constant 640 : i32
    %mul3A_2 = arith.muli %arg1, %mul3A_1 : i32
    "tpu.region"() ({
      %run_scoped3A = tpu.sem_alloc : memref<!tpu.dma_semaphore, #tpu.memory_space<semaphore_mem>>
      %dma_start3A = arith.constant 0 : i32
      %dma_start3A_12 = tpu.memref_slice %arg21[%mul3A_2, %dma_start3A] : memref<10240x128xf32, #tpu.memory_space<vmem_shared>> -> memref<640x128xf32, #tpu.memory_space<vmem_shared>>
      tpu.enqueue_dma source(%arg5 : memref<640x128xf32, #tpu.memory_space<hbm>>) target(%dma_start3A_12 : memref<640x128xf32, #tpu.memory_space<vmem_shared>>) target_semaphore(%run_scoped3A : memref<!tpu.dma_semaphore, #tpu.memory_space<semaphore_mem>>)
      %dma_wait3A = arith.constant 0 : i32
      %dma_wait3A_13 = tpu.memref_slice %arg21[%mul3A_2, %dma_wait3A] : memref<10240x128xf32, #tpu.memory_space<vmem_shared>> -> memref<640x128xf32, #tpu.memory_space<vmem_shared>>
      tpu.wait_dma2 semaphore(%run_scoped3A : memref<!tpu.dma_semaphore, #tpu.memory_space<semaphore_mem>>) src(%arg5 : memref<640x128xf32, #tpu.memory_space<hbm>>) dst(%dma_wait3A_13 : memref<640x128xf32, #tpu.memory_space<vmem_shared>>)
      tpu.yield
    }) : () -> ()
    %barrier3A = arith.constant 0 : index
    tpu.barrier barrier_id(%barrier3A)
    %scan3A = arith.constant 0 : i32
    %scan3A_3 = arith.constant 5 : i32
    %scan3A_4 = arith.addi %scan3A, %scan3A_3 : i32
    %scan3A_5 = arith.constant 1 : i32
    scf.for %scan3A_12 = %scan3A to %scan3A_4 step %scan3A_5  : i32 {
      %mul3A_13 = arith.constant 1 : i32
      %mul3A_14 = arith.muli %scan3A_12, %mul3A_13 : i32
      %add3A_15 = arith.constant 0 : i32
      %add3A_16 = arith.addi %add3A_15, %mul3A_14 : i32
      "tpu.region"() ({
        %run_scoped3A = tpu.sem_alloc : memref<!tpu.dma_semaphore, #tpu.memory_space<semaphore_mem>>
        %dma_start3A_69 = arith.constant 0 : i32
        %dma_start3A_70 = arith.constant 0 : i32
        %dma_start3A_71 = tpu.memref_slice %arg3[%add3A, %add3A_16, %dma_start3A_69, %dma_start3A_70] : memref<32x5x50x40xi32, #tpu.memory_space<hbm>> -> memref<1x1x50x40xi32, #tpu.memory_space<hbm>>
        %dma_start3A_72 = tpu.memref_squeeze %dma_start3A_71 : memref<1x1x50x40xi32, #tpu.memory_space<hbm>> -> memref<50x40xi32, #tpu.memory_space<hbm>>
        %dma_start3A_73 = arith.constant 0 : i32
        %dma_start3A_74 = arith.constant 0 : i32
        %dma_start3A_75 = tpu.memref_slice %arg3[%add3A, %add3A_16, %dma_start3A_73, %dma_start3A_74] : memref<32x5x50x40xi32, #tpu.memory_space<hbm>> -> memref<1x1x50x40xi32, #tpu.memory_space<hbm>>
        %dma_start3A_76 = tpu.memref_squeeze %dma_start3A_75 : memref<1x1x50x40xi32, #tpu.memory_space<hbm>> -> memref<50x40xi32, #tpu.memory_space<hbm>>
        tpu.enqueue_dma source(%dma_start3A_76 : memref<50x40xi32, #tpu.memory_space<hbm>>) target(%arg7 : memref<50x40xi32, #tpu.memory_space<vmem>>) target_semaphore(%run_scoped3A : memref<!tpu.dma_semaphore, #tpu.memory_space<semaphore_mem>>)
        %dma_wait3A_77 = arith.constant 0 : i32
        %dma_wait3A_78 = arith.constant 0 : i32
        %dma_wait3A_79 = tpu.memref_slice %arg3[%add3A, %add3A_16, %dma_wait3A_77, %dma_wait3A_78] : memref<32x5x50x40xi32, #tpu.memory_space<hbm>> -> memref<1x1x50x40xi32, #tpu.memory_space<hbm>>
        %dma_wait3A_80 = tpu.memref_squeeze %dma_wait3A_79 : memref<1x1x50x40xi32, #tpu.memory_space<hbm>> -> memref<50x40xi32, #tpu.memory_space<hbm>>
        %dma_wait3A_81 = arith.constant 0 : i32
        %dma_wait3A_82 = arith.constant 0 : i32
        %dma_wait3A_83 = tpu.memref_slice %arg3[%add3A, %add3A_16, %dma_wait3A_81, %dma_wait3A_82] : memref<32x5x50x40xi32, #tpu.memory_space<hbm>> -> memref<1x1x50x40xi32, #tpu.memory_space<hbm>>
        %dma_wait3A_84 = tpu.memref_squeeze %dma_wait3A_83 : memref<1x1x50x40xi32, #tpu.memory_space<hbm>> -> memref<50x40xi32, #tpu.memory_space<hbm>>
        tpu.wait_dma2 semaphore(%run_scoped3A : memref<!tpu.dma_semaphore, #tpu.memory_space<semaphore_mem>>) src(%dma_wait3A_84 : memref<50x40xi32, #tpu.memory_space<hbm>>) dst(%arg7 : memref<50x40xi32, #tpu.memory_space<vmem>>)
        tpu.yield
      }) : () -> ()
      "tpu.region"() ({
        %run_scoped3A = tpu.sem_alloc : memref<!tpu.dma_semaphore, #tpu.memory_space<semaphore_mem>>
        %dma_start3A_69 = arith.constant 0 : i32
        %dma_start3A_70 = arith.constant 0 : i32
        %dma_start3A_71 = tpu.memref_slice %arg4[%add3A, %add3A_16, %dma_start3A_69, %dma_start3A_70] : memref<32x5x50x40xi32, #tpu.memory_space<hbm>> -> memref<1x1x50x40xi32, #tpu.memory_space<hbm>>
        %dma_start3A_72 = tpu.memref_squeeze %dma_start3A_71 : memref<1x1x50x40xi32, #tpu.memory_space<hbm>> -> memref<50x40xi32, #tpu.memory_space<hbm>>
        %dma_start3A_73 = arith.constant 0 : i32
        %dma_start3A_74 = arith.constant 0 : i32
        %dma_start3A_75 = tpu.memref_slice %arg4[%add3A, %add3A_16, %dma_start3A_73, %dma_start3A_74] : memref<32x5x50x40xi32, #tpu.memory_space<hbm>> -> memref<1x1x50x40xi32, #tpu.memory_space<hbm>>
        %dma_start3A_76 = tpu.memref_squeeze %dma_start3A_75 : memref<1x1x50x40xi32, #tpu.memory_space<hbm>> -> memref<50x40xi32, #tpu.memory_space<hbm>>
        tpu.enqueue_dma source(%dma_start3A_76 : memref<50x40xi32, #tpu.memory_space<hbm>>) target(%arg8 : memref<50x40xi32, #tpu.memory_space<vmem>>) target_semaphore(%run_scoped3A : memref<!tpu.dma_semaphore, #tpu.memory_space<semaphore_mem>>)
        %dma_wait3A_77 = arith.constant 0 : i32
        %dma_wait3A_78 = arith.constant 0 : i32
        %dma_wait3A_79 = tpu.memref_slice %arg4[%add3A, %add3A_16, %dma_wait3A_77, %dma_wait3A_78] : memref<32x5x50x40xi32, #tpu.memory_space<hbm>> -> memref<1x1x50x40xi32, #tpu.memory_space<hbm>>
        %dma_wait3A_80 = tpu.memref_squeeze %dma_wait3A_79 : memref<1x1x50x40xi32, #tpu.memory_space<hbm>> -> memref<50x40xi32, #tpu.memory_space<hbm>>
        %dma_wait3A_81 = arith.constant 0 : i32
        %dma_wait3A_82 = arith.constant 0 : i32
        %dma_wait3A_83 = tpu.memref_slice %arg4[%add3A, %add3A_16, %dma_wait3A_81, %dma_wait3A_82] : memref<32x5x50x40xi32, #tpu.memory_space<hbm>> -> memref<1x1x50x40xi32, #tpu.memory_space<hbm>>
        %dma_wait3A_84 = tpu.memref_squeeze %dma_wait3A_83 : memref<1x1x50x40xi32, #tpu.memory_space<hbm>> -> memref<50x40xi32, #tpu.memory_space<hbm>>
        tpu.wait_dma2 semaphore(%run_scoped3A : memref<!tpu.dma_semaphore, #tpu.memory_space<semaphore_mem>>) src(%dma_wait3A_84 : memref<50x40xi32, #tpu.memory_space<hbm>>) dst(%arg8 : memref<50x40xi32, #tpu.memory_space<vmem>>)
        tpu.yield
      }) : () -> ()
      %dma_start3A = arith.constant 0 : i32
      %dma_start3A_17 = arith.constant 0 : i32
      %dma_start3A_18 = tpu.memref_slice %arg7[%dma_start3A, %dma_start3A_17] : memref<50x40xi32, #tpu.memory_space<vmem>> -> memref<1x40xi32, #tpu.memory_space<vmem>>
      %dma_start3A_19 = tpu.memref_squeeze %dma_start3A_18 : memref<1x40xi32, #tpu.memory_space<vmem>> -> memref<40xi32, #tpu.memory_space<vmem>>
      %dma_start3A_20 = arith.constant 0 : i32
      %dma_start3A_21 = arith.constant 0 : i32
      %dma_start3A_22 = tpu.memref_slice %arg2[%dma_start3A_20, %dma_start3A_21] : memref<10000x128xf32, #tpu.memory_space<hbm>> -> memref<10000x128xf32, #tpu.memory_space<hbm>>
      tpu.enqueue_indirect_dma source(%dma_start3A_22 : memref<10000x128xf32, #tpu.memory_space<hbm>>) target(%arg9 : memref<40x128xf32, #tpu.memory_space<vmem>>) offsets(%dma_start3A_19 : memref<40xi32, #tpu.memory_space<vmem>>) semaphore(%arg13 : memref<!tpu.dma_semaphore, #tpu.memory_space<semaphore_mem>>)
      %dma_start3A_23 = arith.constant 1 : i32
      %dma_start3A_24 = arith.constant 0 : i32
      %dma_start3A_25 = tpu.memref_slice %arg7[%dma_start3A_23, %dma_start3A_24] : memref<50x40xi32, #tpu.memory_space<vmem>> -> memref<1x40xi32, #tpu.memory_space<vmem>>
      %dma_start3A_26 = tpu.memref_squeeze %dma_start3A_25 : memref<1x40xi32, #tpu.memory_space<vmem>> -> memref<40xi32, #tpu.memory_space<vmem>>
      %dma_start3A_27 = arith.constant 0 : i32
      %dma_start3A_28 = arith.constant 0 : i32
      %dma_start3A_29 = tpu.memref_slice %arg2[%dma_start3A_27, %dma_start3A_28] : memref<10000x128xf32, #tpu.memory_space<hbm>> -> memref<10000x128xf32, #tpu.memory_space<hbm>>
      tpu.enqueue_indirect_dma source(%dma_start3A_29 : memref<10000x128xf32, #tpu.memory_space<hbm>>) target(%arg10 : memref<40x128xf32, #tpu.memory_space<vmem>>) offsets(%dma_start3A_26 : memref<40xi32, #tpu.memory_space<vmem>>) semaphore(%arg14 : memref<!tpu.dma_semaphore, #tpu.memory_space<semaphore_mem>>)
      %dma_start3A_30 = arith.constant 2 : i32
      %dma_start3A_31 = arith.constant 0 : i32
      %dma_start3A_32 = tpu.memref_slice %arg7[%dma_start3A_30, %dma_start3A_31] : memref<50x40xi32, #tpu.memory_space<vmem>> -> memref<1x40xi32, #tpu.memory_space<vmem>>
      %dma_start3A_33 = tpu.memref_squeeze %dma_start3A_32 : memref<1x40xi32, #tpu.memory_space<vmem>> -> memref<40xi32, #tpu.memory_space<vmem>>
      %dma_start3A_34 = arith.constant 0 : i32
      %dma_start3A_35 = arith.constant 0 : i32
      %dma_start3A_36 = tpu.memref_slice %arg2[%dma_start3A_34, %dma_start3A_35] : memref<10000x128xf32, #tpu.memory_space<hbm>> -> memref<10000x128xf32, #tpu.memory_space<hbm>>
      tpu.enqueue_indirect_dma source(%dma_start3A_36 : memref<10000x128xf32, #tpu.memory_space<hbm>>) target(%arg11 : memref<40x128xf32, #tpu.memory_space<vmem>>) offsets(%dma_start3A_33 : memref<40xi32, #tpu.memory_space<vmem>>) semaphore(%arg15 : memref<!tpu.dma_semaphore, #tpu.memory_space<semaphore_mem>>)
      %scan3A_37 = arith.constant 0 : i32
      %scan3A_38 = arith.constant 50 : i32
      %scan3A_39 = arith.addi %scan3A_37, %scan3A_38 : i32
      %scan3A_40 = arith.constant 1 : i32
      scf.for %scan3A_69 = %scan3A_37 to %scan3A_39 step %scan3A_40  : i32 {
        %mul3A_70 = arith.constant 1 : i32
        %mul3A_71 = arith.muli %scan3A_69, %mul3A_70 : i32
        %add3A_72 = arith.constant 0 : i32
        %add3A_73 = arith.addi %add3A_72, %mul3A_71 : i32
        %rem3A = arith.constant 4 : i32
        %rem3A_74 = arith.remsi %add3A_73, %rem3A : i32
        %eq3A = arith.constant 0 : i32
        %eq3A_75 = arith.cmpi eq, %rem3A_74, %eq3A : i32
        %convert_element_type3A = arith.extui %eq3A_75 : i1 to i32
        %cond3A = arith.constant 0 : i32
        %cond3A_76 = arith.cmpi ne, %convert_element_type3A, %cond3A : i32
        scf.if %cond3A_76 {
          %dma_wait3A_98 = arith.constant 0 : i32
          %dma_wait3A_99 = arith.constant 0 : i32
          %dma_wait3A_100 = tpu.memref_slice %arg7[%dma_wait3A_98, %dma_wait3A_99] : memref<50x40xi32, #tpu.memory_space<vmem>> -> memref<1x40xi32, #tpu.memory_space<vmem>>
          %dma_wait3A_101 = tpu.memref_squeeze %dma_wait3A_100 : memref<1x40xi32, #tpu.memory_space<vmem>> -> memref<40xi32, #tpu.memory_space<vmem>>
          %dma_wait3A_102 = arith.constant 0 : i32
          %dma_wait3A_103 = arith.constant 0 : i32
          %dma_wait3A_104 = tpu.memref_slice %arg2[%dma_wait3A_102, %dma_wait3A_103] : memref<10000x128xf32, #tpu.memory_space<hbm>> -> memref<10000x128xf32, #tpu.memory_space<hbm>>
          tpu.wait_indirect_dma semaphore(%arg13 : memref<!tpu.dma_semaphore, #tpu.memory_space<semaphore_mem>>) src(%dma_wait3A_104 : memref<10000x128xf32, #tpu.memory_space<hbm>>) dst(%arg9 : memref<40x128xf32, #tpu.memory_space<vmem>>)
          %dma_start3A_105 = arith.constant 0 : i32
          %dma_start3A_106 = tpu.memref_slice %arg8[%add3A_73, %dma_start3A_105] : memref<50x40xi32, #tpu.memory_space<vmem>> -> memref<1x40xi32, #tpu.memory_space<vmem>>
          %dma_start3A_107 = tpu.memref_squeeze %dma_start3A_106 : memref<1x40xi32, #tpu.memory_space<vmem>> -> memref<40xi32, #tpu.memory_space<vmem>>
          %dma_start3A_108 = arith.constant 0 : i32
          %dma_start3A_109 = arith.constant 0 : i32
          %dma_start3A_110 = tpu.memref_slice %arg21[%dma_start3A_108, %dma_start3A_109] : memref<10240x128xf32, #tpu.memory_space<vmem_shared>> -> memref<10240x128xf32, #tpu.memory_space<vmem_shared>>
          tpu.enqueue_indirect_dma source(%arg9 : memref<40x128xf32, #tpu.memory_space<vmem>>) target(%dma_start3A_110 : memref<10240x128xf32, #tpu.memory_space<vmem_shared>>) offsets(%dma_start3A_107 : memref<40xi32, #tpu.memory_space<vmem>>) semaphore(%arg17 : memref<!tpu.dma_semaphore, #tpu.memory_space<semaphore_mem>>) {add = true}
          %add3A_111 = arith.constant 3 : i32
          %add3A_112 = arith.addi %add3A_73, %add3A_111 : i32
          %lt3A = arith.constant 50 : i32
          %lt3A_113 = arith.cmpi slt, %add3A_112, %lt3A : i32
          %convert_element_type3A_114 = arith.extui %lt3A_113 : i1 to i32
          %cond3A_115 = arith.constant 0 : i32
          %cond3A_116 = arith.cmpi ne, %convert_element_type3A_114, %cond3A_115 : i32
          scf.if %cond3A_116 {
            %ge3A = arith.constant 1 : i32
            %ge3A_117 = arith.cmpi sge, %add3A_73, %ge3A : i32
            %convert_element_type3A_118 = arith.extui %ge3A_117 : i1 to i32
            %cond3A_119 = arith.constant 0 : i32
            %cond3A_120 = arith.cmpi ne, %convert_element_type3A_118, %cond3A_119 : i32
            scf.if %cond3A_120 {
              %dma_wait3A_129 = arith.constant 0 : i32
              %dma_wait3A_130 = arith.constant 0 : i32
              %dma_wait3A_131 = tpu.memref_slice %arg8[%dma_wait3A_129, %dma_wait3A_130] : memref<50x40xi32, #tpu.memory_space<vmem>> -> memref<1x40xi32, #tpu.memory_space<vmem>>
              %dma_wait3A_132 = tpu.memref_squeeze %dma_wait3A_131 : memref<1x40xi32, #tpu.memory_space<vmem>> -> memref<40xi32, #tpu.memory_space<vmem>>
              %dma_wait3A_133 = arith.constant 0 : i32
              %dma_wait3A_134 = arith.constant 0 : i32
              %dma_wait3A_135 = tpu.memref_slice %arg21[%dma_wait3A_133, %dma_wait3A_134] : memref<10240x128xf32, #tpu.memory_space<vmem_shared>> -> memref<10240x128xf32, #tpu.memory_space<vmem_shared>>
              tpu.wait_indirect_dma semaphore(%arg20 : memref<!tpu.dma_semaphore, #tpu.memory_space<semaphore_mem>>) src(%arg12 : memref<40x128xf32, #tpu.memory_space<vmem>>) dst(%dma_wait3A_135 : memref<10240x128xf32, #tpu.memory_space<vmem_shared>>)
            } else {
            }
            %add3A_121 = arith.constant 3 : i32
            %add3A_122 = arith.addi %add3A_73, %add3A_121 : i32
            %dma_start3A_123 = arith.constant 0 : i32
            %dma_start3A_124 = tpu.memref_slice %arg7[%add3A_122, %dma_start3A_123] : memref<50x40xi32, #tpu.memory_space<vmem>> -> memref<1x40xi32, #tpu.memory_space<vmem>>
            %dma_start3A_125 = tpu.memref_squeeze %dma_start3A_124 : memref<1x40xi32, #tpu.memory_space<vmem>> -> memref<40xi32, #tpu.memory_space<vmem>>
            %dma_start3A_126 = arith.constant 0 : i32
            %dma_start3A_127 = arith.constant 0 : i32
            %dma_start3A_128 = tpu.memref_slice %arg2[%dma_start3A_126, %dma_start3A_127] : memref<10000x128xf32, #tpu.memory_space<hbm>> -> memref<10000x128xf32, #tpu.memory_space<hbm>>
            tpu.enqueue_indirect_dma source(%dma_start3A_128 : memref<10000x128xf32, #tpu.memory_space<hbm>>) target(%arg12 : memref<40x128xf32, #tpu.memory_space<vmem>>) offsets(%dma_start3A_125 : memref<40xi32, #tpu.memory_space<vmem>>) semaphore(%arg16 : memref<!tpu.dma_semaphore, #tpu.memory_space<semaphore_mem>>)
          } else {
          }
        } else {
        }
        %rem3A_77 = arith.constant 4 : i32
        %rem3A_78 = arith.remsi %add3A_73, %rem3A_77 : i32
        %eq3A_79 = arith.constant 1 : i32
        %eq3A_80 = arith.cmpi eq, %rem3A_78, %eq3A_79 : i32
        %convert_element_type3A_81 = arith.extui %eq3A_80 : i1 to i32
        %cond3A_82 = arith.constant 0 : i32
        %cond3A_83 = arith.cmpi ne, %convert_element_type3A_81, %cond3A_82 : i32
        scf.if %cond3A_83 {
          %dma_wait3A_98 = arith.constant 0 : i32
          %dma_wait3A_99 = arith.constant 0 : i32
          %dma_wait3A_100 = tpu.memref_slice %arg7[%dma_wait3A_98, %dma_wait3A_99] : memref<50x40xi32, #tpu.memory_space<vmem>> -> memref<1x40xi32, #tpu.memory_space<vmem>>
          %dma_wait3A_101 = tpu.memref_squeeze %dma_wait3A_100 : memref<1x40xi32, #tpu.memory_space<vmem>> -> memref<40xi32, #tpu.memory_space<vmem>>
          %dma_wait3A_102 = arith.constant 0 : i32
          %dma_wait3A_103 = arith.constant 0 : i32
          %dma_wait3A_104 = tpu.memref_slice %arg2[%dma_wait3A_102, %dma_wait3A_103] : memref<10000x128xf32, #tpu.memory_space<hbm>> -> memref<10000x128xf32, #tpu.memory_space<hbm>>
          tpu.wait_indirect_dma semaphore(%arg14 : memref<!tpu.dma_semaphore, #tpu.memory_space<semaphore_mem>>) src(%dma_wait3A_104 : memref<10000x128xf32, #tpu.memory_space<hbm>>) dst(%arg10 : memref<40x128xf32, #tpu.memory_space<vmem>>)
          %dma_start3A_105 = arith.constant 0 : i32
          %dma_start3A_106 = tpu.memref_slice %arg8[%add3A_73, %dma_start3A_105] : memref<50x40xi32, #tpu.memory_space<vmem>> -> memref<1x40xi32, #tpu.memory_space<vmem>>
          %dma_start3A_107 = tpu.memref_squeeze %dma_start3A_106 : memref<1x40xi32, #tpu.memory_space<vmem>> -> memref<40xi32, #tpu.memory_space<vmem>>
          %dma_start3A_108 = arith.constant 0 : i32
          %dma_start3A_109 = arith.constant 0 : i32
          %dma_start3A_110 = tpu.memref_slice %arg21[%dma_start3A_108, %dma_start3A_109] : memref<10240x128xf32, #tpu.memory_space<vmem_shared>> -> memref<10240x128xf32, #tpu.memory_space<vmem_shared>>
          tpu.enqueue_indirect_dma source(%arg10 : memref<40x128xf32, #tpu.memory_space<vmem>>) target(%dma_start3A_110 : memref<10240x128xf32, #tpu.memory_space<vmem_shared>>) offsets(%dma_start3A_107 : memref<40xi32, #tpu.memory_space<vmem>>) semaphore(%arg18 : memref<!tpu.dma_semaphore, #tpu.memory_space<semaphore_mem>>) {add = true}
          %add3A_111 = arith.constant 3 : i32
          %add3A_112 = arith.addi %add3A_73, %add3A_111 : i32
          %lt3A = arith.constant 50 : i32
          %lt3A_113 = arith.cmpi slt, %add3A_112, %lt3A : i32
          %convert_element_type3A_114 = arith.extui %lt3A_113 : i1 to i32
          %cond3A_115 = arith.constant 0 : i32
          %cond3A_116 = arith.cmpi ne, %convert_element_type3A_114, %cond3A_115 : i32
          scf.if %cond3A_116 {
            %ge3A = arith.constant 1 : i32
            %ge3A_117 = arith.cmpi sge, %add3A_73, %ge3A : i32
            %convert_element_type3A_118 = arith.extui %ge3A_117 : i1 to i32
            %cond3A_119 = arith.constant 0 : i32
            %cond3A_120 = arith.cmpi ne, %convert_element_type3A_118, %cond3A_119 : i32
            scf.if %cond3A_120 {
              %dma_wait3A_129 = arith.constant 0 : i32
              %dma_wait3A_130 = arith.constant 0 : i32
              %dma_wait3A_131 = tpu.memref_slice %arg8[%dma_wait3A_129, %dma_wait3A_130] : memref<50x40xi32, #tpu.memory_space<vmem>> -> memref<1x40xi32, #tpu.memory_space<vmem>>
              %dma_wait3A_132 = tpu.memref_squeeze %dma_wait3A_131 : memref<1x40xi32, #tpu.memory_space<vmem>> -> memref<40xi32, #tpu.memory_space<vmem>>
              %dma_wait3A_133 = arith.constant 0 : i32
              %dma_wait3A_134 = arith.constant 0 : i32
              %dma_wait3A_135 = tpu.memref_slice %arg21[%dma_wait3A_133, %dma_wait3A_134] : memref<10240x128xf32, #tpu.memory_space<vmem_shared>> -> memref<10240x128xf32, #tpu.memory_space<vmem_shared>>
              tpu.wait_indirect_dma semaphore(%arg17 : memref<!tpu.dma_semaphore, #tpu.memory_space<semaphore_mem>>) src(%arg9 : memref<40x128xf32, #tpu.memory_space<vmem>>) dst(%dma_wait3A_135 : memref<10240x128xf32, #tpu.memory_space<vmem_shared>>)
            } else {
            }
            %add3A_121 = arith.constant 3 : i32
            %add3A_122 = arith.addi %add3A_73, %add3A_121 : i32
            %dma_start3A_123 = arith.constant 0 : i32
            %dma_start3A_124 = tpu.memref_slice %arg7[%add3A_122, %dma_start3A_123] : memref<50x40xi32, #tpu.memory_space<vmem>> -> memref<1x40xi32, #tpu.memory_space<vmem>>
            %dma_start3A_125 = tpu.memref_squeeze %dma_start3A_124 : memref<1x40xi32, #tpu.memory_space<vmem>> -> memref<40xi32, #tpu.memory_space<vmem>>
            %dma_start3A_126 = arith.constant 0 : i32
            %dma_start3A_127 = arith.constant 0 : i32
            %dma_start3A_128 = tpu.memref_slice %arg2[%dma_start3A_126, %dma_start3A_127] : memref<10000x128xf32, #tpu.memory_space<hbm>> -> memref<10000x128xf32, #tpu.memory_space<hbm>>
            tpu.enqueue_indirect_dma source(%dma_start3A_128 : memref<10000x128xf32, #tpu.memory_space<hbm>>) target(%arg9 : memref<40x128xf32, #tpu.memory_space<vmem>>) offsets(%dma_start3A_125 : memref<40xi32, #tpu.memory_space<vmem>>) semaphore(%arg13 : memref<!tpu.dma_semaphore, #tpu.memory_space<semaphore_mem>>)
          } else {
          }
        } else {
        }
        %rem3A_84 = arith.constant 4 : i32
        %rem3A_85 = arith.remsi %add3A_73, %rem3A_84 : i32
        %eq3A_86 = arith.constant 2 : i32
        %eq3A_87 = arith.cmpi eq, %rem3A_85, %eq3A_86 : i32
        %convert_element_type3A_88 = arith.extui %eq3A_87 : i1 to i32
        %cond3A_89 = arith.constant 0 : i32
        %cond3A_90 = arith.cmpi ne, %convert_element_type3A_88, %cond3A_89 : i32
        scf.if %cond3A_90 {
          %dma_wait3A_98 = arith.constant 0 : i32
          %dma_wait3A_99 = arith.constant 0 : i32
          %dma_wait3A_100 = tpu.memref_slice %arg7[%dma_wait3A_98, %dma_wait3A_99] : memref<50x40xi32, #tpu.memory_space<vmem>> -> memref<1x40xi32, #tpu.memory_space<vmem>>
          %dma_wait3A_101 = tpu.memref_squeeze %dma_wait3A_100 : memref<1x40xi32, #tpu.memory_space<vmem>> -> memref<40xi32, #tpu.memory_space<vmem>>
          %dma_wait3A_102 = arith.constant 0 : i32
          %dma_wait3A_103 = arith.constant 0 : i32
          %dma_wait3A_104 = tpu.memref_slice %arg2[%dma_wait3A_102, %dma_wait3A_103] : memref<10000x128xf32, #tpu.memory_space<hbm>> -> memref<10000x128xf32, #tpu.memory_space<hbm>>
          tpu.wait_indirect_dma semaphore(%arg15 : memref<!tpu.dma_semaphore, #tpu.memory_space<semaphore_mem>>) src(%dma_wait3A_104 : memref<10000x128xf32, #tpu.memory_space<hbm>>) dst(%arg11 : memref<40x128xf32, #tpu.memory_space<vmem>>)
          %dma_start3A_105 = arith.constant 0 : i32
          %dma_start3A_106 = tpu.memref_slice %arg8[%add3A_73, %dma_start3A_105] : memref<50x40xi32, #tpu.memory_space<vmem>> -> memref<1x40xi32, #tpu.memory_space<vmem>>
          %dma_start3A_107 = tpu.memref_squeeze %dma_start3A_106 : memref<1x40xi32, #tpu.memory_space<vmem>> -> memref<40xi32, #tpu.memory_space<vmem>>
          %dma_start3A_108 = arith.constant 0 : i32
          %dma_start3A_109 = arith.constant 0 : i32
          %dma_start3A_110 = tpu.memref_slice %arg21[%dma_start3A_108, %dma_start3A_109] : memref<10240x128xf32, #tpu.memory_space<vmem_shared>> -> memref<10240x128xf32, #tpu.memory_space<vmem_shared>>
          tpu.enqueue_indirect_dma source(%arg11 : memref<40x128xf32, #tpu.memory_space<vmem>>) target(%dma_start3A_110 : memref<10240x128xf32, #tpu.memory_space<vmem_shared>>) offsets(%dma_start3A_107 : memref<40xi32, #tpu.memory_space<vmem>>) semaphore(%arg19 : memref<!tpu.dma_semaphore, #tpu.memory_space<semaphore_mem>>) {add = true}
          %add3A_111 = arith.constant 3 : i32
          %add3A_112 = arith.addi %add3A_73, %add3A_111 : i32
          %lt3A = arith.constant 50 : i32
          %lt3A_113 = arith.cmpi slt, %add3A_112, %lt3A : i32
          %convert_element_type3A_114 = arith.extui %lt3A_113 : i1 to i32
          %cond3A_115 = arith.constant 0 : i32
          %cond3A_116 = arith.cmpi ne, %convert_element_type3A_114, %cond3A_115 : i32
          scf.if %cond3A_116 {
            %ge3A = arith.constant 1 : i32
            %ge3A_117 = arith.cmpi sge, %add3A_73, %ge3A : i32
            %convert_element_type3A_118 = arith.extui %ge3A_117 : i1 to i32
            %cond3A_119 = arith.constant 0 : i32
            %cond3A_120 = arith.cmpi ne, %convert_element_type3A_118, %cond3A_119 : i32
            scf.if %cond3A_120 {
              %dma_wait3A_129 = arith.constant 0 : i32
              %dma_wait3A_130 = arith.constant 0 : i32
              %dma_wait3A_131 = tpu.memref_slice %arg8[%dma_wait3A_129, %dma_wait3A_130] : memref<50x40xi32, #tpu.memory_space<vmem>> -> memref<1x40xi32, #tpu.memory_space<vmem>>
              %dma_wait3A_132 = tpu.memref_squeeze %dma_wait3A_131 : memref<1x40xi32, #tpu.memory_space<vmem>> -> memref<40xi32, #tpu.memory_space<vmem>>
              %dma_wait3A_133 = arith.constant 0 : i32
              %dma_wait3A_134 = arith.constant 0 : i32
              %dma_wait3A_135 = tpu.memref_slice %arg21[%dma_wait3A_133, %dma_wait3A_134] : memref<10240x128xf32, #tpu.memory_space<vmem_shared>> -> memref<10240x128xf32, #tpu.memory_space<vmem_shared>>
              tpu.wait_indirect_dma semaphore(%arg18 : memref<!tpu.dma_semaphore, #tpu.memory_space<semaphore_mem>>) src(%arg10 : memref<40x128xf32, #tpu.memory_space<vmem>>) dst(%dma_wait3A_135 : memref<10240x128xf32, #tpu.memory_space<vmem_shared>>)
            } else {
            }
            %add3A_121 = arith.constant 3 : i32
            %add3A_122 = arith.addi %add3A_73, %add3A_121 : i32
            %dma_start3A_123 = arith.constant 0 : i32
            %dma_start3A_124 = tpu.memref_slice %arg7[%add3A_122, %dma_start3A_123] : memref<50x40xi32, #tpu.memory_space<vmem>> -> memref<1x40xi32, #tpu.memory_space<vmem>>
            %dma_start3A_125 = tpu.memref_squeeze %dma_start3A_124 : memref<1x40xi32, #tpu.memory_space<vmem>> -> memref<40xi32, #tpu.memory_space<vmem>>
            %dma_start3A_126 = arith.constant 0 : i32
            %dma_start3A_127 = arith.constant 0 : i32
            %dma_start3A_128 = tpu.memref_slice %arg2[%dma_start3A_126, %dma_start3A_127] : memref<10000x128xf32, #tpu.memory_space<hbm>> -> memref<10000x128xf32, #tpu.memory_space<hbm>>
            tpu.enqueue_indirect_dma source(%dma_start3A_128 : memref<10000x128xf32, #tpu.memory_space<hbm>>) target(%arg10 : memref<40x128xf32, #tpu.memory_space<vmem>>) offsets(%dma_start3A_125 : memref<40xi32, #tpu.memory_space<vmem>>) semaphore(%arg14 : memref<!tpu.dma_semaphore, #tpu.memory_space<semaphore_mem>>)
          } else {
          }
        } else {
        }
        %rem3A_91 = arith.constant 4 : i32
        %rem3A_92 = arith.remsi %add3A_73, %rem3A_91 : i32
        %eq3A_93 = arith.constant 3 : i32
        %eq3A_94 = arith.cmpi eq, %rem3A_92, %eq3A_93 : i32
        %convert_element_type3A_95 = arith.extui %eq3A_94 : i1 to i32
        %cond3A_96 = arith.constant 0 : i32
        %cond3A_97 = arith.cmpi ne, %convert_element_type3A_95, %cond3A_96 : i32
        scf.if %cond3A_97 {
          %dma_wait3A_98 = arith.constant 0 : i32
          %dma_wait3A_99 = arith.constant 0 : i32
          %dma_wait3A_100 = tpu.memref_slice %arg7[%dma_wait3A_98, %dma_wait3A_99] : memref<50x40xi32, #tpu.memory_space<vmem>> -> memref<1x40xi32, #tpu.memory_space<vmem>>
          %dma_wait3A_101 = tpu.memref_squeeze %dma_wait3A_100 : memref<1x40xi32, #tpu.memory_space<vmem>> -> memref<40xi32, #tpu.memory_space<vmem>>
          %dma_wait3A_102 = arith.constant 0 : i32
          %dma_wait3A_103 = arith.constant 0 : i32
          %dma_wait3A_104 = tpu.memref_slice %arg2[%dma_wait3A_102, %dma_wait3A_103] : memref<10000x128xf32, #tpu.memory_space<hbm>> -> memref<10000x128xf32, #tpu.memory_space<hbm>>
          tpu.wait_indirect_dma semaphore(%arg16 : memref<!tpu.dma_semaphore, #tpu.memory_space<semaphore_mem>>) src(%dma_wait3A_104 : memref<10000x128xf32, #tpu.memory_space<hbm>>) dst(%arg12 : memref<40x128xf32, #tpu.memory_space<vmem>>)
          %dma_start3A_105 = arith.constant 0 : i32
          %dma_start3A_106 = tpu.memref_slice %arg8[%add3A_73, %dma_start3A_105] : memref<50x40xi32, #tpu.memory_space<vmem>> -> memref<1x40xi32, #tpu.memory_space<vmem>>
          %dma_start3A_107 = tpu.memref_squeeze %dma_start3A_106 : memref<1x40xi32, #tpu.memory_space<vmem>> -> memref<40xi32, #tpu.memory_space<vmem>>
          %dma_start3A_108 = arith.constant 0 : i32
          %dma_start3A_109 = arith.constant 0 : i32
          %dma_start3A_110 = tpu.memref_slice %arg21[%dma_start3A_108, %dma_start3A_109] : memref<10240x128xf32, #tpu.memory_space<vmem_shared>> -> memref<10240x128xf32, #tpu.memory_space<vmem_shared>>
          tpu.enqueue_indirect_dma source(%arg12 : memref<40x128xf32, #tpu.memory_space<vmem>>) target(%dma_start3A_110 : memref<10240x128xf32, #tpu.memory_space<vmem_shared>>) offsets(%dma_start3A_107 : memref<40xi32, #tpu.memory_space<vmem>>) semaphore(%arg20 : memref<!tpu.dma_semaphore, #tpu.memory_space<semaphore_mem>>) {add = true}
          %add3A_111 = arith.constant 3 : i32
          %add3A_112 = arith.addi %add3A_73, %add3A_111 : i32
          %lt3A = arith.constant 50 : i32
          %lt3A_113 = arith.cmpi slt, %add3A_112, %lt3A : i32
          %convert_element_type3A_114 = arith.extui %lt3A_113 : i1 to i32
          %cond3A_115 = arith.constant 0 : i32
          %cond3A_116 = arith.cmpi ne, %convert_element_type3A_114, %cond3A_115 : i32
          scf.if %cond3A_116 {
            %ge3A = arith.constant 1 : i32
            %ge3A_117 = arith.cmpi sge, %add3A_73, %ge3A : i32
            %convert_element_type3A_118 = arith.extui %ge3A_117 : i1 to i32
            %cond3A_119 = arith.constant 0 : i32
            %cond3A_120 = arith.cmpi ne, %convert_element_type3A_118, %cond3A_119 : i32
            scf.if %cond3A_120 {
              %dma_wait3A_129 = arith.constant 0 : i32
              %dma_wait3A_130 = arith.constant 0 : i32
              %dma_wait3A_131 = tpu.memref_slice %arg8[%dma_wait3A_129, %dma_wait3A_130] : memref<50x40xi32, #tpu.memory_space<vmem>> -> memref<1x40xi32, #tpu.memory_space<vmem>>
              %dma_wait3A_132 = tpu.memref_squeeze %dma_wait3A_131 : memref<1x40xi32, #tpu.memory_space<vmem>> -> memref<40xi32, #tpu.memory_space<vmem>>
              %dma_wait3A_133 = arith.constant 0 : i32
              %dma_wait3A_134 = arith.constant 0 : i32
              %dma_wait3A_135 = tpu.memref_slice %arg21[%dma_wait3A_133, %dma_wait3A_134] : memref<10240x128xf32, #tpu.memory_space<vmem_shared>> -> memref<10240x128xf32, #tpu.memory_space<vmem_shared>>
              tpu.wait_indirect_dma semaphore(%arg19 : memref<!tpu.dma_semaphore, #tpu.memory_space<semaphore_mem>>) src(%arg11 : memref<40x128xf32, #tpu.memory_space<vmem>>) dst(%dma_wait3A_135 : memref<10240x128xf32, #tpu.memory_space<vmem_shared>>)
            } else {
            }
            %add3A_121 = arith.constant 3 : i32
            %add3A_122 = arith.addi %add3A_73, %add3A_121 : i32
            %dma_start3A_123 = arith.constant 0 : i32
            %dma_start3A_124 = tpu.memref_slice %arg7[%add3A_122, %dma_start3A_123] : memref<50x40xi32, #tpu.memory_space<vmem>> -> memref<1x40xi32, #tpu.memory_space<vmem>>
            %dma_start3A_125 = tpu.memref_squeeze %dma_start3A_124 : memref<1x40xi32, #tpu.memory_space<vmem>> -> memref<40xi32, #tpu.memory_space<vmem>>
            %dma_start3A_126 = arith.constant 0 : i32
            %dma_start3A_127 = arith.constant 0 : i32
            %dma_start3A_128 = tpu.memref_slice %arg2[%dma_start3A_126, %dma_start3A_127] : memref<10000x128xf32, #tpu.memory_space<hbm>> -> memref<10000x128xf32, #tpu.memory_space<hbm>>
            tpu.enqueue_indirect_dma source(%dma_start3A_128 : memref<10000x128xf32, #tpu.memory_space<hbm>>) target(%arg11 : memref<40x128xf32, #tpu.memory_space<vmem>>) offsets(%dma_start3A_125 : memref<40xi32, #tpu.memory_space<vmem>>) semaphore(%arg15 : memref<!tpu.dma_semaphore, #tpu.memory_space<semaphore_mem>>)
          } else {
          }
        } else {
        }
      }
      %scan3A_41 = arith.constant 50 : i32
      %dma_wait3A = arith.constant 0 : i32
      %dma_wait3A_42 = arith.constant 0 : i32
      %dma_wait3A_43 = tpu.memref_slice %arg8[%dma_wait3A, %dma_wait3A_42] : memref<50x40xi32, #tpu.memory_space<vmem>> -> memref<1x40xi32, #tpu.memory_space<vmem>>
      %dma_wait3A_44 = tpu.memref_squeeze %dma_wait3A_43 : memref<1x40xi32, #tpu.memory_space<vmem>> -> memref<40xi32, #tpu.memory_space<vmem>>
      %dma_wait3A_45 = arith.constant 0 : i32
      %dma_wait3A_46 = arith.constant 0 : i32
      %dma_wait3A_47 = tpu.memref_slice %arg21[%dma_wait3A_45, %dma_wait3A_46] : memref<10240x128xf32, #tpu.memory_space<vmem_shared>> -> memref<10240x128xf32, #tpu.memory_space<vmem_shared>>
      tpu.wait_indirect_dma semaphore(%arg17 : memref<!tpu.dma_semaphore, #tpu.memory_space<semaphore_mem>>) src(%arg9 : memref<40x128xf32, #tpu.memory_space<vmem>>) dst(%dma_wait3A_47 : memref<10240x128xf32, #tpu.memory_space<vmem_shared>>)
      %dma_wait3A_48 = arith.constant 0 : i32
      %dma_wait3A_49 = arith.constant 0 : i32
      %dma_wait3A_50 = tpu.memref_slice %arg8[%dma_wait3A_48, %dma_wait3A_49] : memref<50x40xi32, #tpu.memory_space<vmem>> -> memref<1x40xi32, #tpu.memory_space<vmem>>
      %dma_wait3A_51 = tpu.memref_squeeze %dma_wait3A_50 : memref<1x40xi32, #tpu.memory_space<vmem>> -> memref<40xi32, #tpu.memory_space<vmem>>
      %dma_wait3A_52 = arith.constant 0 : i32
      %dma_wait3A_53 = arith.constant 0 : i32
      %dma_wait3A_54 = tpu.memref_slice %arg21[%dma_wait3A_52, %dma_wait3A_53] : memref<10240x128xf32, #tpu.memory_space<vmem_shared>> -> memref<10240x128xf32, #tpu.memory_space<vmem_shared>>
      tpu.wait_indirect_dma semaphore(%arg18 : memref<!tpu.dma_semaphore, #tpu.memory_space<semaphore_mem>>) src(%arg10 : memref<40x128xf32, #tpu.memory_space<vmem>>) dst(%dma_wait3A_54 : memref<10240x128xf32, #tpu.memory_space<vmem_shared>>)
      %dma_wait3A_55 = arith.constant 0 : i32
      %dma_wait3A_56 = arith.constant 0 : i32
      %dma_wait3A_57 = tpu.memref_slice %arg8[%dma_wait3A_55, %dma_wait3A_56] : memref<50x40xi32, #tpu.memory_space<vmem>> -> memref<1x40xi32, #tpu.memory_space<vmem>>
      %dma_wait3A_58 = tpu.memref_squeeze %dma_wait3A_57 : memref<1x40xi32, #tpu.memory_space<vmem>> -> memref<40xi32, #tpu.memory_space<vmem>>
      %dma_wait3A_59 = arith.constant 0 : i32
      %dma_wait3A_60 = arith.constant 0 : i32
      %dma_wait3A_61 = tpu.memref_slice %arg21[%dma_wait3A_59, %dma_wait3A_60] : memref<10240x128xf32, #tpu.memory_space<vmem_shared>> -> memref<10240x128xf32, #tpu.memory_space<vmem_shared>>
      tpu.wait_indirect_dma semaphore(%arg19 : memref<!tpu.dma_semaphore, #tpu.memory_space<semaphore_mem>>) src(%arg11 : memref<40x128xf32, #tpu.memory_space<vmem>>) dst(%dma_wait3A_61 : memref<10240x128xf32, #tpu.memory_space<vmem_shared>>)
      %dma_wait3A_62 = arith.constant 0 : i32
      %dma_wait3A_63 = arith.constant 0 : i32
      %dma_wait3A_64 = tpu.memref_slice %arg8[%dma_wait3A_62, %dma_wait3A_63] : memref<50x40xi32, #tpu.memory_space<vmem>> -> memref<1x40xi32, #tpu.memory_space<vmem>>
      %dma_wait3A_65 = tpu.memref_squeeze %dma_wait3A_64 : memref<1x40xi32, #tpu.memory_space<vmem>> -> memref<40xi32, #tpu.memory_space<vmem>>
      %dma_wait3A_66 = arith.constant 0 : i32
      %dma_wait3A_67 = arith.constant 0 : i32
      %dma_wait3A_68 = tpu.memref_slice %arg21[%dma_wait3A_66, %dma_wait3A_67] : memref<10240x128xf32, #tpu.memory_space<vmem_shared>> -> memref<10240x128xf32, #tpu.memory_space<vmem_shared>>
      tpu.wait_indirect_dma semaphore(%arg20 : memref<!tpu.dma_semaphore, #tpu.memory_space<semaphore_mem>>) src(%arg12 : memref<40x128xf32, #tpu.memory_space<vmem>>) dst(%dma_wait3A_68 : memref<10240x128xf32, #tpu.memory_space<vmem_shared>>)
    }
    %scan3A_6 = arith.constant 5 : i32
    %barrier3A_7 = arith.constant 0 : index
    tpu.barrier barrier_id(%barrier3A_7)
    %mul3A_8 = arith.constant 640 : i32
    %mul3A_9 = arith.muli %arg1, %mul3A_8 : i32
    %mul3A_10 = arith.constant 640 : i32
    %mul3A_11 = arith.muli %arg1, %mul3A_10 : i32
    "tpu.region"() ({
      %run_scoped3A = tpu.sem_alloc : memref<!tpu.dma_semaphore, #tpu.memory_space<semaphore_mem>>
      %dma_start3A = arith.constant 0 : i32
      %dma_start3A_12 = tpu.memref_slice %arg6[%arg0, %mul3A_11, %dma_start3A] : memref<2x10240x128xf32, #tpu.memory_space<hbm>> -> memref<1x640x128xf32, #tpu.memory_space<hbm>>
      %dma_start3A_13 = tpu.memref_squeeze %dma_start3A_12 : memref<1x640x128xf32, #tpu.memory_space<hbm>> -> memref<640x128xf32, #tpu.memory_space<hbm>>
      %dma_start3A_14 = arith.constant 0 : i32
      %dma_start3A_15 = tpu.memref_slice %arg21[%mul3A_9, %dma_start3A_14] : memref<10240x128xf32, #tpu.memory_space<vmem_shared>> -> memref<640x128xf32, #tpu.memory_space<vmem_shared>>
      tpu.enqueue_dma source(%dma_start3A_15 : memref<640x128xf32, #tpu.memory_space<vmem_shared>>) target(%dma_start3A_13 : memref<640x128xf32, #tpu.memory_space<hbm>>) target_semaphore(%run_scoped3A : memref<!tpu.dma_semaphore, #tpu.memory_space<semaphore_mem>>)
      %dma_wait3A = arith.constant 0 : i32
      %dma_wait3A_16 = tpu.memref_slice %arg6[%arg0, %mul3A_11, %dma_wait3A] : memref<2x10240x128xf32, #tpu.memory_space<hbm>> -> memref<1x640x128xf32, #tpu.memory_space<hbm>>
      %dma_wait3A_17 = tpu.memref_squeeze %dma_wait3A_16 : memref<1x640x128xf32, #tpu.memory_space<hbm>> -> memref<640x128xf32, #tpu.memory_space<hbm>>
      %dma_wait3A_18 = arith.constant 0 : i32
      %dma_wait3A_19 = tpu.memref_slice %arg21[%mul3A_9, %dma_wait3A_18] : memref<10240x128xf32, #tpu.memory_space<vmem_shared>> -> memref<640x128xf32, #tpu.memory_space<vmem_shared>>
      tpu.wait_dma2 semaphore(%run_scoped3A : memref<!tpu.dma_semaphore, #tpu.memory_space<semaphore_mem>>) src(%dma_wait3A_19 : memref<640x128xf32, #tpu.memory_space<vmem_shared>>) dst(%dma_wait3A_17 : memref<640x128xf32, #tpu.memory_space<hbm>>)
      tpu.yield
    }) : () -> ()
    return
  }
}

#map = affine_map<(d0, d1) -> (0, 0)>
#map1 = affine_map<(d0, d1) -> (0, 0, 0, 0)>
#map2 = affine_map<(d0, d1) -> (0, 0, 0)>
module attributes {stable_mosaic.version = 14 : i64} {
  func.func @_agg_kernel(%arg0: i32, %arg1: i32, %arg2: memref<10000x128xf32, #tpu.memory_space<hbm>>, %arg3: memref<32x5x50x40xi32, #tpu.memory_space<hbm>>, %arg4: memref<32x5x50x40xi32, #tpu.memory_space<hbm>>, %arg5: memref<640x128xf32, #tpu.memory_space<hbm>>, %arg6: memref<2x10240x128xf32, #tpu.memory_space<hbm>>, %arg7: memref<50x40xi32, #tpu.memory_space<vmem>>, %arg8: memref<50x40xi32, #tpu.memory_space<vmem>>, %arg9: memref<40x128xf32, #tpu.memory_space<vmem>>, %arg10: memref<40x128xf32, #tpu.memory_space<vmem>>, %arg11: memref<40x128xf32, #tpu.memory_space<vmem>>, %arg12: memref<40x128xf32, #tpu.memory_space<vmem>>, %arg13: memref<!tpu.dma_semaphore, #tpu.memory_space<semaphore_mem>>, %arg14: memref<!tpu.dma_semaphore, #tpu.memory_space<semaphore_mem>>, %arg15: memref<!tpu.dma_semaphore, #tpu.memory_space<semaphore_mem>>, %arg16: memref<!tpu.dma_semaphore, #tpu.memory_space<semaphore_mem>>, %arg17: memref<!tpu.dma_semaphore, #tpu.memory_space<semaphore_mem>>, %arg18: memref<!tpu.dma_semaphore, #tpu.memory_space<semaphore_mem>>, %arg19: memref<!tpu.dma_semaphore, #tpu.memory_space<semaphore_mem>>, %arg20: memref<!tpu.dma_semaphore, #tpu.memory_space<semaphore_mem>>, %arg21: memref<10240x128xf32, #tpu.memory_space<vmem_shared>>) attributes {dimension_semantics = [#tpu.dimension_semantics<core_parallel>, #tpu.dimension_semantics<subcore_parallel>], iteration_bounds = array<i64: 2, 16>, scalar_prefetch = 0 : i64, scratch_operands = 15 : i64, tpu.core_type = #tpu.core_type<sc_vector_subcore>, window_params = [{transform_indices = #map}, {transform_indices = #map1}, {transform_indices = #map1}, {transform_indices = #map}, {transform_indices = #map2}]} {
    %mul3A = arith.constant 16 : i32
    %mul3A_0 = arith.muli %arg0, %mul3A : i32
    %add3A = arith.addi %mul3A_0, %arg1 : i32
    %mul3A_1 = arith.constant 640 : i32
    %mul3A_2 = arith.muli %arg1, %mul3A_1 : i32
    "tpu.region"() ({
      %run_scoped3A = tpu.sem_alloc : memref<!tpu.dma_semaphore, #tpu.memory_space<semaphore_mem>>
      %dma_start3A = arith.constant 0 : i32
      %dma_start3A_12 = tpu.memref_slice %arg21[%mul3A_2, %dma_start3A] : memref<10240x128xf32, #tpu.memory_space<vmem_shared>> -> memref<640x128xf32, #tpu.memory_space<vmem_shared>>
      tpu.enqueue_dma source(%arg5 : memref<640x128xf32, #tpu.memory_space<hbm>>) target(%dma_start3A_12 : memref<640x128xf32, #tpu.memory_space<vmem_shared>>) target_semaphore(%run_scoped3A : memref<!tpu.dma_semaphore, #tpu.memory_space<semaphore_mem>>)
      %dma_wait3A = arith.constant 0 : i32
      %dma_wait3A_13 = tpu.memref_slice %arg21[%mul3A_2, %dma_wait3A] : memref<10240x128xf32, #tpu.memory_space<vmem_shared>> -> memref<640x128xf32, #tpu.memory_space<vmem_shared>>
      tpu.wait_dma2 semaphore(%run_scoped3A : memref<!tpu.dma_semaphore, #tpu.memory_space<semaphore_mem>>) src(%arg5 : memref<640x128xf32, #tpu.memory_space<hbm>>) dst(%dma_wait3A_13 : memref<640x128xf32, #tpu.memory_space<vmem_shared>>)
      tpu.yield
    }) : () -> ()
    %barrier3A = arith.constant 0 : index
    tpu.barrier barrier_id(%barrier3A)
    %scan3A = arith.constant 0 : i32
    %scan3A_3 = arith.constant 5 : i32
    %scan3A_4 = arith.addi %scan3A, %scan3A_3 : i32
    %scan3A_5 = arith.constant 1 : i32
    scf.for %scan3A_12 = %scan3A to %scan3A_4 step %scan3A_5  : i32 {
      %mul3A_13 = arith.constant 1 : i32
      %mul3A_14 = arith.muli %scan3A_12, %mul3A_13 : i32
      %add3A_15 = arith.constant 0 : i32
      %add3A_16 = arith.addi %add3A_15, %mul3A_14 : i32
      "tpu.region"() ({
        %run_scoped3A = tpu.sem_alloc : memref<!tpu.dma_semaphore, #tpu.memory_space<semaphore_mem>>
        %dma_start3A_69 = arith.constant 0 : i32
        %dma_start3A_70 = arith.constant 0 : i32
        %dma_start3A_71 = tpu.memref_slice %arg3[%add3A, %add3A_16, %dma_start3A_69, %dma_start3A_70] : memref<32x5x50x40xi32, #tpu.memory_space<hbm>> -> memref<1x1x50x40xi32, #tpu.memory_space<hbm>>
        %dma_start3A_72 = tpu.memref_squeeze %dma_start3A_71 : memref<1x1x50x40xi32, #tpu.memory_space<hbm>> -> memref<50x40xi32, #tpu.memory_space<hbm>>
        %dma_start3A_73 = arith.constant 0 : i32
        %dma_start3A_74 = arith.constant 0 : i32
        %dma_start3A_75 = tpu.memref_slice %arg3[%add3A, %add3A_16, %dma_start3A_73, %dma_start3A_74] : memref<32x5x50x40xi32, #tpu.memory_space<hbm>> -> memref<1x1x50x40xi32, #tpu.memory_space<hbm>>
        %dma_start3A_76 = tpu.memref_squeeze %dma_start3A_75 : memref<1x1x50x40xi32, #tpu.memory_space<hbm>> -> memref<50x40xi32, #tpu.memory_space<hbm>>
        tpu.enqueue_dma source(%dma_start3A_76 : memref<50x40xi32, #tpu.memory_space<hbm>>) target(%arg7 : memref<50x40xi32, #tpu.memory_space<vmem>>) target_semaphore(%run_scoped3A : memref<!tpu.dma_semaphore, #tpu.memory_space<semaphore_mem>>)
        %dma_wait3A_77 = arith.constant 0 : i32
        %dma_wait3A_78 = arith.constant 0 : i32
        %dma_wait3A_79 = tpu.memref_slice %arg3[%add3A, %add3A_16, %dma_wait3A_77, %dma_wait3A_78] : memref<32x5x50x40xi32, #tpu.memory_space<hbm>> -> memref<1x1x50x40xi32, #tpu.memory_space<hbm>>
        %dma_wait3A_80 = tpu.memref_squeeze %dma_wait3A_79 : memref<1x1x50x40xi32, #tpu.memory_space<hbm>> -> memref<50x40xi32, #tpu.memory_space<hbm>>
        %dma_wait3A_81 = arith.constant 0 : i32
        %dma_wait3A_82 = arith.constant 0 : i32
        %dma_wait3A_83 = tpu.memref_slice %arg3[%add3A, %add3A_16, %dma_wait3A_81, %dma_wait3A_82] : memref<32x5x50x40xi32, #tpu.memory_space<hbm>> -> memref<1x1x50x40xi32, #tpu.memory_space<hbm>>
        %dma_wait3A_84 = tpu.memref_squeeze %dma_wait3A_83 : memref<1x1x50x40xi32, #tpu.memory_space<hbm>> -> memref<50x40xi32, #tpu.memory_space<hbm>>
        tpu.wait_dma2 semaphore(%run_scoped3A : memref<!tpu.dma_semaphore, #tpu.memory_space<semaphore_mem>>) src(%dma_wait3A_84 : memref<50x40xi32, #tpu.memory_space<hbm>>) dst(%arg7 : memref<50x40xi32, #tpu.memory_space<vmem>>)
        tpu.yield
      }) : () -> ()
      "tpu.region"() ({
        %run_scoped3A = tpu.sem_alloc : memref<!tpu.dma_semaphore, #tpu.memory_space<semaphore_mem>>
        %dma_start3A_69 = arith.constant 0 : i32
        %dma_start3A_70 = arith.constant 0 : i32
        %dma_start3A_71 = tpu.memref_slice %arg4[%add3A, %add3A_16, %dma_start3A_69, %dma_start3A_70] : memref<32x5x50x40xi32, #tpu.memory_space<hbm>> -> memref<1x1x50x40xi32, #tpu.memory_space<hbm>>
        %dma_start3A_72 = tpu.memref_squeeze %dma_start3A_71 : memref<1x1x50x40xi32, #tpu.memory_space<hbm>> -> memref<50x40xi32, #tpu.memory_space<hbm>>
        %dma_start3A_73 = arith.constant 0 : i32
        %dma_start3A_74 = arith.constant 0 : i32
        %dma_start3A_75 = tpu.memref_slice %arg4[%add3A, %add3A_16, %dma_start3A_73, %dma_start3A_74] : memref<32x5x50x40xi32, #tpu.memory_space<hbm>> -> memref<1x1x50x40xi32, #tpu.memory_space<hbm>>
        %dma_start3A_76 = tpu.memref_squeeze %dma_start3A_75 : memref<1x1x50x40xi32, #tpu.memory_space<hbm>> -> memref<50x40xi32, #tpu.memory_space<hbm>>
        tpu.enqueue_dma source(%dma_start3A_76 : memref<50x40xi32, #tpu.memory_space<hbm>>) target(%arg8 : memref<50x40xi32, #tpu.memory_space<vmem>>) target_semaphore(%run_scoped3A : memref<!tpu.dma_semaphore, #tpu.memory_space<semaphore_mem>>)
        %dma_wait3A_77 = arith.constant 0 : i32
        %dma_wait3A_78 = arith.constant 0 : i32
        %dma_wait3A_79 = tpu.memref_slice %arg4[%add3A, %add3A_16, %dma_wait3A_77, %dma_wait3A_78] : memref<32x5x50x40xi32, #tpu.memory_space<hbm>> -> memref<1x1x50x40xi32, #tpu.memory_space<hbm>>
        %dma_wait3A_80 = tpu.memref_squeeze %dma_wait3A_79 : memref<1x1x50x40xi32, #tpu.memory_space<hbm>> -> memref<50x40xi32, #tpu.memory_space<hbm>>
        %dma_wait3A_81 = arith.constant 0 : i32
        %dma_wait3A_82 = arith.constant 0 : i32
        %dma_wait3A_83 = tpu.memref_slice %arg4[%add3A, %add3A_16, %dma_wait3A_81, %dma_wait3A_82] : memref<32x5x50x40xi32, #tpu.memory_space<hbm>> -> memref<1x1x50x40xi32, #tpu.memory_space<hbm>>
        %dma_wait3A_84 = tpu.memref_squeeze %dma_wait3A_83 : memref<1x1x50x40xi32, #tpu.memory_space<hbm>> -> memref<50x40xi32, #tpu.memory_space<hbm>>
        tpu.wait_dma2 semaphore(%run_scoped3A : memref<!tpu.dma_semaphore, #tpu.memory_space<semaphore_mem>>) src(%dma_wait3A_84 : memref<50x40xi32, #tpu.memory_space<hbm>>) dst(%arg8 : memref<50x40xi32, #tpu.memory_space<vmem>>)
        tpu.yield
      }) : () -> ()
      %dma_start3A = arith.constant 0 : i32
      %dma_start3A_17 = arith.constant 0 : i32
      %dma_start3A_18 = tpu.memref_slice %arg7[%dma_start3A, %dma_start3A_17] : memref<50x40xi32, #tpu.memory_space<vmem>> -> memref<1x40xi32, #tpu.memory_space<vmem>>
      %dma_start3A_19 = tpu.memref_squeeze %dma_start3A_18 : memref<1x40xi32, #tpu.memory_space<vmem>> -> memref<40xi32, #tpu.memory_space<vmem>>
      %dma_start3A_20 = arith.constant 0 : i32
      %dma_start3A_21 = arith.constant 0 : i32
      %dma_start3A_22 = tpu.memref_slice %arg2[%dma_start3A_20, %dma_start3A_21] : memref<10000x128xf32, #tpu.memory_space<hbm>> -> memref<10000x128xf32, #tpu.memory_space<hbm>>
      tpu.enqueue_indirect_dma source(%dma_start3A_22 : memref<10000x128xf32, #tpu.memory_space<hbm>>) target(%arg9 : memref<40x128xf32, #tpu.memory_space<vmem>>) offsets(%dma_start3A_19 : memref<40xi32, #tpu.memory_space<vmem>>) semaphore(%arg13 : memref<!tpu.dma_semaphore, #tpu.memory_space<semaphore_mem>>)
      %dma_start3A_23 = arith.constant 1 : i32
      %dma_start3A_24 = arith.constant 0 : i32
      %dma_start3A_25 = tpu.memref_slice %arg7[%dma_start3A_23, %dma_start3A_24] : memref<50x40xi32, #tpu.memory_space<vmem>> -> memref<1x40xi32, #tpu.memory_space<vmem>>
      %dma_start3A_26 = tpu.memref_squeeze %dma_start3A_25 : memref<1x40xi32, #tpu.memory_space<vmem>> -> memref<40xi32, #tpu.memory_space<vmem>>
      %dma_start3A_27 = arith.constant 0 : i32
      %dma_start3A_28 = arith.constant 0 : i32
      %dma_start3A_29 = tpu.memref_slice %arg2[%dma_start3A_27, %dma_start3A_28] : memref<10000x128xf32, #tpu.memory_space<hbm>> -> memref<10000x128xf32, #tpu.memory_space<hbm>>
      tpu.enqueue_indirect_dma source(%dma_start3A_29 : memref<10000x128xf32, #tpu.memory_space<hbm>>) target(%arg10 : memref<40x128xf32, #tpu.memory_space<vmem>>) offsets(%dma_start3A_26 : memref<40xi32, #tpu.memory_space<vmem>>) semaphore(%arg14 : memref<!tpu.dma_semaphore, #tpu.memory_space<semaphore_mem>>)
      %dma_start3A_30 = arith.constant 2 : i32
      %dma_start3A_31 = arith.constant 0 : i32
      %dma_start3A_32 = tpu.memref_slice %arg7[%dma_start3A_30, %dma_start3A_31] : memref<50x40xi32, #tpu.memory_space<vmem>> -> memref<1x40xi32, #tpu.memory_space<vmem>>
      %dma_start3A_33 = tpu.memref_squeeze %dma_start3A_32 : memref<1x40xi32, #tpu.memory_space<vmem>> -> memref<40xi32, #tpu.memory_space<vmem>>
      %dma_start3A_34 = arith.constant 0 : i32
      %dma_start3A_35 = arith.constant 0 : i32
      %dma_start3A_36 = tpu.memref_slice %arg2[%dma_start3A_34, %dma_start3A_35] : memref<10000x128xf32, #tpu.memory_space<hbm>> -> memref<10000x128xf32, #tpu.memory_space<hbm>>
      tpu.enqueue_indirect_dma source(%dma_start3A_36 : memref<10000x128xf32, #tpu.memory_space<hbm>>) target(%arg11 : memref<40x128xf32, #tpu.memory_space<vmem>>) offsets(%dma_start3A_33 : memref<40xi32, #tpu.memory_space<vmem>>) semaphore(%arg15 : memref<!tpu.dma_semaphore, #tpu.memory_space<semaphore_mem>>)
      %scan3A_37 = arith.constant 0 : i32
      %scan3A_38 = arith.constant 50 : i32
      %scan3A_39 = arith.addi %scan3A_37, %scan3A_38 : i32
      %scan3A_40 = arith.constant 1 : i32
      scf.for %scan3A_69 = %scan3A_37 to %scan3A_39 step %scan3A_40  : i32 {
        %mul3A_70 = arith.constant 1 : i32
        %mul3A_71 = arith.muli %scan3A_69, %mul3A_70 : i32
        %add3A_72 = arith.constant 0 : i32
        %add3A_73 = arith.addi %add3A_72, %mul3A_71 : i32
        %rem3A = arith.constant 4 : i32
        %rem3A_74 = arith.remsi %add3A_73, %rem3A : i32
        %eq3A = arith.constant 0 : i32
        %eq3A_75 = arith.cmpi eq, %rem3A_74, %eq3A : i32
        %convert_element_type3A = arith.extui %eq3A_75 : i1 to i32
        %cond3A = arith.constant 0 : i32
        %cond3A_76 = arith.cmpi ne, %convert_element_type3A, %cond3A : i32
        scf.if %cond3A_76 {
          %dma_wait3A_98 = arith.constant 0 : i32
          %dma_wait3A_99 = arith.constant 0 : i32
          %dma_wait3A_100 = tpu.memref_slice %arg7[%dma_wait3A_98, %dma_wait3A_99] : memref<50x40xi32, #tpu.memory_space<vmem>> -> memref<1x40xi32, #tpu.memory_space<vmem>>
          %dma_wait3A_101 = tpu.memref_squeeze %dma_wait3A_100 : memref<1x40xi32, #tpu.memory_space<vmem>> -> memref<40xi32, #tpu.memory_space<vmem>>
          %dma_wait3A_102 = arith.constant 0 : i32
          %dma_wait3A_103 = arith.constant 0 : i32
          %dma_wait3A_104 = tpu.memref_slice %arg2[%dma_wait3A_102, %dma_wait3A_103] : memref<10000x128xf32, #tpu.memory_space<hbm>> -> memref<10000x128xf32, #tpu.memory_space<hbm>>
          tpu.wait_indirect_dma semaphore(%arg13 : memref<!tpu.dma_semaphore, #tpu.memory_space<semaphore_mem>>) src(%dma_wait3A_104 : memref<10000x128xf32, #tpu.memory_space<hbm>>) dst(%arg9 : memref<40x128xf32, #tpu.memory_space<vmem>>)
          %dma_start3A_105 = arith.constant 0 : i32
          %dma_start3A_106 = tpu.memref_slice %arg8[%add3A_73, %dma_start3A_105] : memref<50x40xi32, #tpu.memory_space<vmem>> -> memref<1x40xi32, #tpu.memory_space<vmem>>
          %dma_start3A_107 = tpu.memref_squeeze %dma_start3A_106 : memref<1x40xi32, #tpu.memory_space<vmem>> -> memref<40xi32, #tpu.memory_space<vmem>>
          %dma_start3A_108 = arith.constant 0 : i32
          %dma_start3A_109 = arith.constant 0 : i32
          %dma_start3A_110 = tpu.memref_slice %arg21[%dma_start3A_108, %dma_start3A_109] : memref<10240x128xf32, #tpu.memory_space<vmem_shared>> -> memref<10240x128xf32, #tpu.memory_space<vmem_shared>>
          tpu.enqueue_indirect_dma source(%arg9 : memref<40x128xf32, #tpu.memory_space<vmem>>) target(%dma_start3A_110 : memref<10240x128xf32, #tpu.memory_space<vmem_shared>>) offsets(%dma_start3A_107 : memref<40xi32, #tpu.memory_space<vmem>>) semaphore(%arg17 : memref<!tpu.dma_semaphore, #tpu.memory_space<semaphore_mem>>) {add = true}
          %add3A_111 = arith.constant 3 : i32
          %add3A_112 = arith.addi %add3A_73, %add3A_111 : i32
          %lt3A = arith.constant 50 : i32
          %lt3A_113 = arith.cmpi slt, %add3A_112, %lt3A : i32
          %convert_element_type3A_114 = arith.extui %lt3A_113 : i1 to i32
          %cond3A_115 = arith.constant 0 : i32
          %cond3A_116 = arith.cmpi ne, %convert_element_type3A_114, %cond3A_115 : i32
          scf.if %cond3A_116 {
            %ge3A = arith.constant 1 : i32
            %ge3A_117 = arith.cmpi sge, %add3A_73, %ge3A : i32
            %convert_element_type3A_118 = arith.extui %ge3A_117 : i1 to i32
            %cond3A_119 = arith.constant 0 : i32
            %cond3A_120 = arith.cmpi ne, %convert_element_type3A_118, %cond3A_119 : i32
            scf.if %cond3A_120 {
              %dma_wait3A_129 = arith.constant 0 : i32
              %dma_wait3A_130 = arith.constant 0 : i32
              %dma_wait3A_131 = tpu.memref_slice %arg8[%dma_wait3A_129, %dma_wait3A_130] : memref<50x40xi32, #tpu.memory_space<vmem>> -> memref<1x40xi32, #tpu.memory_space<vmem>>
              %dma_wait3A_132 = tpu.memref_squeeze %dma_wait3A_131 : memref<1x40xi32, #tpu.memory_space<vmem>> -> memref<40xi32, #tpu.memory_space<vmem>>
              %dma_wait3A_133 = arith.constant 0 : i32
              %dma_wait3A_134 = arith.constant 0 : i32
              %dma_wait3A_135 = tpu.memref_slice %arg21[%dma_wait3A_133, %dma_wait3A_134] : memref<10240x128xf32, #tpu.memory_space<vmem_shared>> -> memref<10240x128xf32, #tpu.memory_space<vmem_shared>>
              tpu.wait_indirect_dma semaphore(%arg20 : memref<!tpu.dma_semaphore, #tpu.memory_space<semaphore_mem>>) src(%arg12 : memref<40x128xf32, #tpu.memory_space<vmem>>) dst(%dma_wait3A_135 : memref<10240x128xf32, #tpu.memory_space<vmem_shared>>)
            } else {
            }
            %add3A_121 = arith.constant 3 : i32
            %add3A_122 = arith.addi %add3A_73, %add3A_121 : i32
            %dma_start3A_123 = arith.constant 0 : i32
            %dma_start3A_124 = tpu.memref_slice %arg7[%add3A_122, %dma_start3A_123] : memref<50x40xi32, #tpu.memory_space<vmem>> -> memref<1x40xi32, #tpu.memory_space<vmem>>
            %dma_start3A_125 = tpu.memref_squeeze %dma_start3A_124 : memref<1x40xi32, #tpu.memory_space<vmem>> -> memref<40xi32, #tpu.memory_space<vmem>>
            %dma_start3A_126 = arith.constant 0 : i32
            %dma_start3A_127 = arith.constant 0 : i32
            %dma_start3A_128 = tpu.memref_slice %arg2[%dma_start3A_126, %dma_start3A_127] : memref<10000x128xf32, #tpu.memory_space<hbm>> -> memref<10000x128xf32, #tpu.memory_space<hbm>>
            tpu.enqueue_indirect_dma source(%dma_start3A_128 : memref<10000x128xf32, #tpu.memory_space<hbm>>) target(%arg12 : memref<40x128xf32, #tpu.memory_space<vmem>>) offsets(%dma_start3A_125 : memref<40xi32, #tpu.memory_space<vmem>>) semaphore(%arg16 : memref<!tpu.dma_semaphore, #tpu.memory_space<semaphore_mem>>)
          } else {
          }
        } else {
        }
        %rem3A_77 = arith.constant 4 : i32
        %rem3A_78 = arith.remsi %add3A_73, %rem3A_77 : i32
        %eq3A_79 = arith.constant 1 : i32
        %eq3A_80 = arith.cmpi eq, %rem3A_78, %eq3A_79 : i32
        %convert_element_type3A_81 = arith.extui %eq3A_80 : i1 to i32
        %cond3A_82 = arith.constant 0 : i32
        %cond3A_83 = arith.cmpi ne, %convert_element_type3A_81, %cond3A_82 : i32
        scf.if %cond3A_83 {
          %dma_wait3A_98 = arith.constant 0 : i32
          %dma_wait3A_99 = arith.constant 0 : i32
          %dma_wait3A_100 = tpu.memref_slice %arg7[%dma_wait3A_98, %dma_wait3A_99] : memref<50x40xi32, #tpu.memory_space<vmem>> -> memref<1x40xi32, #tpu.memory_space<vmem>>
          %dma_wait3A_101 = tpu.memref_squeeze %dma_wait3A_100 : memref<1x40xi32, #tpu.memory_space<vmem>> -> memref<40xi32, #tpu.memory_space<vmem>>
          %dma_wait3A_102 = arith.constant 0 : i32
          %dma_wait3A_103 = arith.constant 0 : i32
          %dma_wait3A_104 = tpu.memref_slice %arg2[%dma_wait3A_102, %dma_wait3A_103] : memref<10000x128xf32, #tpu.memory_space<hbm>> -> memref<10000x128xf32, #tpu.memory_space<hbm>>
          tpu.wait_indirect_dma semaphore(%arg14 : memref<!tpu.dma_semaphore, #tpu.memory_space<semaphore_mem>>) src(%dma_wait3A_104 : memref<10000x128xf32, #tpu.memory_space<hbm>>) dst(%arg10 : memref<40x128xf32, #tpu.memory_space<vmem>>)
          %dma_start3A_105 = arith.constant 0 : i32
          %dma_start3A_106 = tpu.memref_slice %arg8[%add3A_73, %dma_start3A_105] : memref<50x40xi32, #tpu.memory_space<vmem>> -> memref<1x40xi32, #tpu.memory_space<vmem>>
          %dma_start3A_107 = tpu.memref_squeeze %dma_start3A_106 : memref<1x40xi32, #tpu.memory_space<vmem>> -> memref<40xi32, #tpu.memory_space<vmem>>
          %dma_start3A_108 = arith.constant 0 : i32
          %dma_start3A_109 = arith.constant 0 : i32
          %dma_start3A_110 = tpu.memref_slice %arg21[%dma_start3A_108, %dma_start3A_109] : memref<10240x128xf32, #tpu.memory_space<vmem_shared>> -> memref<10240x128xf32, #tpu.memory_space<vmem_shared>>
          tpu.enqueue_indirect_dma source(%arg10 : memref<40x128xf32, #tpu.memory_space<vmem>>) target(%dma_start3A_110 : memref<10240x128xf32, #tpu.memory_space<vmem_shared>>) offsets(%dma_start3A_107 : memref<40xi32, #tpu.memory_space<vmem>>) semaphore(%arg18 : memref<!tpu.dma_semaphore, #tpu.memory_space<semaphore_mem>>) {add = true}
          %add3A_111 = arith.constant 3 : i32
          %add3A_112 = arith.addi %add3A_73, %add3A_111 : i32
          %lt3A = arith.constant 50 : i32
          %lt3A_113 = arith.cmpi slt, %add3A_112, %lt3A : i32
          %convert_element_type3A_114 = arith.extui %lt3A_113 : i1 to i32
          %cond3A_115 = arith.constant 0 : i32
          %cond3A_116 = arith.cmpi ne, %convert_element_type3A_114, %cond3A_115 : i32
          scf.if %cond3A_116 {
            %ge3A = arith.constant 1 : i32
            %ge3A_117 = arith.cmpi sge, %add3A_73, %ge3A : i32
            %convert_element_type3A_118 = arith.extui %ge3A_117 : i1 to i32
            %cond3A_119 = arith.constant 0 : i32
            %cond3A_120 = arith.cmpi ne, %convert_element_type3A_118, %cond3A_119 : i32
            scf.if %cond3A_120 {
              %dma_wait3A_129 = arith.constant 0 : i32
              %dma_wait3A_130 = arith.constant 0 : i32
              %dma_wait3A_131 = tpu.memref_slice %arg8[%dma_wait3A_129, %dma_wait3A_130] : memref<50x40xi32, #tpu.memory_space<vmem>> -> memref<1x40xi32, #tpu.memory_space<vmem>>
              %dma_wait3A_132 = tpu.memref_squeeze %dma_wait3A_131 : memref<1x40xi32, #tpu.memory_space<vmem>> -> memref<40xi32, #tpu.memory_space<vmem>>
              %dma_wait3A_133 = arith.constant 0 : i32
              %dma_wait3A_134 = arith.constant 0 : i32
              %dma_wait3A_135 = tpu.memref_slice %arg21[%dma_wait3A_133, %dma_wait3A_134] : memref<10240x128xf32, #tpu.memory_space<vmem_shared>> -> memref<10240x128xf32, #tpu.memory_space<vmem_shared>>
              tpu.wait_indirect_dma semaphore(%arg17 : memref<!tpu.dma_semaphore, #tpu.memory_space<semaphore_mem>>) src(%arg9 : memref<40x128xf32, #tpu.memory_space<vmem>>) dst(%dma_wait3A_135 : memref<10240x128xf32, #tpu.memory_space<vmem_shared>>)
            } else {
            }
            %add3A_121 = arith.constant 3 : i32
            %add3A_122 = arith.addi %add3A_73, %add3A_121 : i32
            %dma_start3A_123 = arith.constant 0 : i32
            %dma_start3A_124 = tpu.memref_slice %arg7[%add3A_122, %dma_start3A_123] : memref<50x40xi32, #tpu.memory_space<vmem>> -> memref<1x40xi32, #tpu.memory_space<vmem>>
            %dma_start3A_125 = tpu.memref_squeeze %dma_start3A_124 : memref<1x40xi32, #tpu.memory_space<vmem>> -> memref<40xi32, #tpu.memory_space<vmem>>
            %dma_start3A_126 = arith.constant 0 : i32
            %dma_start3A_127 = arith.constant 0 : i32
            %dma_start3A_128 = tpu.memref_slice %arg2[%dma_start3A_126, %dma_start3A_127] : memref<10000x128xf32, #tpu.memory_space<hbm>> -> memref<10000x128xf32, #tpu.memory_space<hbm>>
            tpu.enqueue_indirect_dma source(%dma_start3A_128 : memref<10000x128xf32, #tpu.memory_space<hbm>>) target(%arg9 : memref<40x128xf32, #tpu.memory_space<vmem>>) offsets(%dma_start3A_125 : memref<40xi32, #tpu.memory_space<vmem>>) semaphore(%arg13 : memref<!tpu.dma_semaphore, #tpu.memory_space<semaphore_mem>>)
          } else {
          }
        } else {
        }
        %rem3A_84 = arith.constant 4 : i32
        %rem3A_85 = arith.remsi %add3A_73, %rem3A_84 : i32
        %eq3A_86 = arith.constant 2 : i32
        %eq3A_87 = arith.cmpi eq, %rem3A_85, %eq3A_86 : i32
        %convert_element_type3A_88 = arith.extui %eq3A_87 : i1 to i32
        %cond3A_89 = arith.constant 0 : i32
        %cond3A_90 = arith.cmpi ne, %convert_element_type3A_88, %cond3A_89 : i32
        scf.if %cond3A_90 {
          %dma_wait3A_98 = arith.constant 0 : i32
          %dma_wait3A_99 = arith.constant 0 : i32
          %dma_wait3A_100 = tpu.memref_slice %arg7[%dma_wait3A_98, %dma_wait3A_99] : memref<50x40xi32, #tpu.memory_space<vmem>> -> memref<1x40xi32, #tpu.memory_space<vmem>>
          %dma_wait3A_101 = tpu.memref_squeeze %dma_wait3A_100 : memref<1x40xi32, #tpu.memory_space<vmem>> -> memref<40xi32, #tpu.memory_space<vmem>>
          %dma_wait3A_102 = arith.constant 0 : i32
          %dma_wait3A_103 = arith.constant 0 : i32
          %dma_wait3A_104 = tpu.memref_slice %arg2[%dma_wait3A_102, %dma_wait3A_103] : memref<10000x128xf32, #tpu.memory_space<hbm>> -> memref<10000x128xf32, #tpu.memory_space<hbm>>
          tpu.wait_indirect_dma semaphore(%arg15 : memref<!tpu.dma_semaphore, #tpu.memory_space<semaphore_mem>>) src(%dma_wait3A_104 : memref<10000x128xf32, #tpu.memory_space<hbm>>) dst(%arg11 : memref<40x128xf32, #tpu.memory_space<vmem>>)
          %dma_start3A_105 = arith.constant 0 : i32
          %dma_start3A_106 = tpu.memref_slice %arg8[%add3A_73, %dma_start3A_105] : memref<50x40xi32, #tpu.memory_space<vmem>> -> memref<1x40xi32, #tpu.memory_space<vmem>>
          %dma_start3A_107 = tpu.memref_squeeze %dma_start3A_106 : memref<1x40xi32, #tpu.memory_space<vmem>> -> memref<40xi32, #tpu.memory_space<vmem>>
          %dma_start3A_108 = arith.constant 0 : i32
          %dma_start3A_109 = arith.constant 0 : i32
          %dma_start3A_110 = tpu.memref_slice %arg21[%dma_start3A_108, %dma_start3A_109] : memref<10240x128xf32, #tpu.memory_space<vmem_shared>> -> memref<10240x128xf32, #tpu.memory_space<vmem_shared>>
          tpu.enqueue_indirect_dma source(%arg11 : memref<40x128xf32, #tpu.memory_space<vmem>>) target(%dma_start3A_110 : memref<10240x128xf32, #tpu.memory_space<vmem_shared>>) offsets(%dma_start3A_107 : memref<40xi32, #tpu.memory_space<vmem>>) semaphore(%arg19 : memref<!tpu.dma_semaphore, #tpu.memory_space<semaphore_mem>>) {add = true}
          %add3A_111 = arith.constant 3 : i32
          %add3A_112 = arith.addi %add3A_73, %add3A_111 : i32
          %lt3A = arith.constant 50 : i32
          %lt3A_113 = arith.cmpi slt, %add3A_112, %lt3A : i32
          %convert_element_type3A_114 = arith.extui %lt3A_113 : i1 to i32
          %cond3A_115 = arith.constant 0 : i32
          %cond3A_116 = arith.cmpi ne, %convert_element_type3A_114, %cond3A_115 : i32
          scf.if %cond3A_116 {
            %ge3A = arith.constant 1 : i32
            %ge3A_117 = arith.cmpi sge, %add3A_73, %ge3A : i32
            %convert_element_type3A_118 = arith.extui %ge3A_117 : i1 to i32
            %cond3A_119 = arith.constant 0 : i32
            %cond3A_120 = arith.cmpi ne, %convert_element_type3A_118, %cond3A_119 : i32
            scf.if %cond3A_120 {
              %dma_wait3A_129 = arith.constant 0 : i32
              %dma_wait3A_130 = arith.constant 0 : i32
              %dma_wait3A_131 = tpu.memref_slice %arg8[%dma_wait3A_129, %dma_wait3A_130] : memref<50x40xi32, #tpu.memory_space<vmem>> -> memref<1x40xi32, #tpu.memory_space<vmem>>
              %dma_wait3A_132 = tpu.memref_squeeze %dma_wait3A_131 : memref<1x40xi32, #tpu.memory_space<vmem>> -> memref<40xi32, #tpu.memory_space<vmem>>
              %dma_wait3A_133 = arith.constant 0 : i32
              %dma_wait3A_134 = arith.constant 0 : i32
              %dma_wait3A_135 = tpu.memref_slice %arg21[%dma_wait3A_133, %dma_wait3A_134] : memref<10240x128xf32, #tpu.memory_space<vmem_shared>> -> memref<10240x128xf32, #tpu.memory_space<vmem_shared>>
              tpu.wait_indirect_dma semaphore(%arg18 : memref<!tpu.dma_semaphore, #tpu.memory_space<semaphore_mem>>) src(%arg10 : memref<40x128xf32, #tpu.memory_space<vmem>>) dst(%dma_wait3A_135 : memref<10240x128xf32, #tpu.memory_space<vmem_shared>>)
            } else {
            }
            %add3A_121 = arith.constant 3 : i32
            %add3A_122 = arith.addi %add3A_73, %add3A_121 : i32
            %dma_start3A_123 = arith.constant 0 : i32
            %dma_start3A_124 = tpu.memref_slice %arg7[%add3A_122, %dma_start3A_123] : memref<50x40xi32, #tpu.memory_space<vmem>> -> memref<1x40xi32, #tpu.memory_space<vmem>>
            %dma_start3A_125 = tpu.memref_squeeze %dma_start3A_124 : memref<1x40xi32, #tpu.memory_space<vmem>> -> memref<40xi32, #tpu.memory_space<vmem>>
            %dma_start3A_126 = arith.constant 0 : i32
            %dma_start3A_127 = arith.constant 0 : i32
            %dma_start3A_128 = tpu.memref_slice %arg2[%dma_start3A_126, %dma_start3A_127] : memref<10000x128xf32, #tpu.memory_space<hbm>> -> memref<10000x128xf32, #tpu.memory_space<hbm>>
            tpu.enqueue_indirect_dma source(%dma_start3A_128 : memref<10000x128xf32, #tpu.memory_space<hbm>>) target(%arg10 : memref<40x128xf32, #tpu.memory_space<vmem>>) offsets(%dma_start3A_125 : memref<40xi32, #tpu.memory_space<vmem>>) semaphore(%arg14 : memref<!tpu.dma_semaphore, #tpu.memory_space<semaphore_mem>>)
          } else {
          }
        } else {
        }
        %rem3A_91 = arith.constant 4 : i32
        %rem3A_92 = arith.remsi %add3A_73, %rem3A_91 : i32
        %eq3A_93 = arith.constant 3 : i32
        %eq3A_94 = arith.cmpi eq, %rem3A_92, %eq3A_93 : i32
        %convert_element_type3A_95 = arith.extui %eq3A_94 : i1 to i32
        %cond3A_96 = arith.constant 0 : i32
        %cond3A_97 = arith.cmpi ne, %convert_element_type3A_95, %cond3A_96 : i32
        scf.if %cond3A_97 {
          %dma_wait3A_98 = arith.constant 0 : i32
          %dma_wait3A_99 = arith.constant 0 : i32
          %dma_wait3A_100 = tpu.memref_slice %arg7[%dma_wait3A_98, %dma_wait3A_99] : memref<50x40xi32, #tpu.memory_space<vmem>> -> memref<1x40xi32, #tpu.memory_space<vmem>>
          %dma_wait3A_101 = tpu.memref_squeeze %dma_wait3A_100 : memref<1x40xi32, #tpu.memory_space<vmem>> -> memref<40xi32, #tpu.memory_space<vmem>>
          %dma_wait3A_102 = arith.constant 0 : i32
          %dma_wait3A_103 = arith.constant 0 : i32
          %dma_wait3A_104 = tpu.memref_slice %arg2[%dma_wait3A_102, %dma_wait3A_103] : memref<10000x128xf32, #tpu.memory_space<hbm>> -> memref<10000x128xf32, #tpu.memory_space<hbm>>
          tpu.wait_indirect_dma semaphore(%arg16 : memref<!tpu.dma_semaphore, #tpu.memory_space<semaphore_mem>>) src(%dma_wait3A_104 : memref<10000x128xf32, #tpu.memory_space<hbm>>) dst(%arg12 : memref<40x128xf32, #tpu.memory_space<vmem>>)
          %dma_start3A_105 = arith.constant 0 : i32
          %dma_start3A_106 = tpu.memref_slice %arg8[%add3A_73, %dma_start3A_105] : memref<50x40xi32, #tpu.memory_space<vmem>> -> memref<1x40xi32, #tpu.memory_space<vmem>>
          %dma_start3A_107 = tpu.memref_squeeze %dma_start3A_106 : memref<1x40xi32, #tpu.memory_space<vmem>> -> memref<40xi32, #tpu.memory_space<vmem>>
          %dma_start3A_108 = arith.constant 0 : i32
          %dma_start3A_109 = arith.constant 0 : i32
          %dma_start3A_110 = tpu.memref_slice %arg21[%dma_start3A_108, %dma_start3A_109] : memref<10240x128xf32, #tpu.memory_space<vmem_shared>> -> memref<10240x128xf32, #tpu.memory_space<vmem_shared>>
          tpu.enqueue_indirect_dma source(%arg12 : memref<40x128xf32, #tpu.memory_space<vmem>>) target(%dma_start3A_110 : memref<10240x128xf32, #tpu.memory_space<vmem_shared>>) offsets(%dma_start3A_107 : memref<40xi32, #tpu.memory_space<vmem>>) semaphore(%arg20 : memref<!tpu.dma_semaphore, #tpu.memory_space<semaphore_mem>>) {add = true}
          %add3A_111 = arith.constant 3 : i32
          %add3A_112 = arith.addi %add3A_73, %add3A_111 : i32
          %lt3A = arith.constant 50 : i32
          %lt3A_113 = arith.cmpi slt, %add3A_112, %lt3A : i32
          %convert_element_type3A_114 = arith.extui %lt3A_113 : i1 to i32
          %cond3A_115 = arith.constant 0 : i32
          %cond3A_116 = arith.cmpi ne, %convert_element_type3A_114, %cond3A_115 : i32
          scf.if %cond3A_116 {
            %ge3A = arith.constant 1 : i32
            %ge3A_117 = arith.cmpi sge, %add3A_73, %ge3A : i32
            %convert_element_type3A_118 = arith.extui %ge3A_117 : i1 to i32
            %cond3A_119 = arith.constant 0 : i32
            %cond3A_120 = arith.cmpi ne, %convert_element_type3A_118, %cond3A_119 : i32
            scf.if %cond3A_120 {
              %dma_wait3A_129 = arith.constant 0 : i32
              %dma_wait3A_130 = arith.constant 0 : i32
              %dma_wait3A_131 = tpu.memref_slice %arg8[%dma_wait3A_129, %dma_wait3A_130] : memref<50x40xi32, #tpu.memory_space<vmem>> -> memref<1x40xi32, #tpu.memory_space<vmem>>
              %dma_wait3A_132 = tpu.memref_squeeze %dma_wait3A_131 : memref<1x40xi32, #tpu.memory_space<vmem>> -> memref<40xi32, #tpu.memory_space<vmem>>
              %dma_wait3A_133 = arith.constant 0 : i32
              %dma_wait3A_134 = arith.constant 0 : i32
              %dma_wait3A_135 = tpu.memref_slice %arg21[%dma_wait3A_133, %dma_wait3A_134] : memref<10240x128xf32, #tpu.memory_space<vmem_shared>> -> memref<10240x128xf32, #tpu.memory_space<vmem_shared>>
              tpu.wait_indirect_dma semaphore(%arg19 : memref<!tpu.dma_semaphore, #tpu.memory_space<semaphore_mem>>) src(%arg11 : memref<40x128xf32, #tpu.memory_space<vmem>>) dst(%dma_wait3A_135 : memref<10240x128xf32, #tpu.memory_space<vmem_shared>>)
            } else {
            }
            %add3A_121 = arith.constant 3 : i32
            %add3A_122 = arith.addi %add3A_73, %add3A_121 : i32
            %dma_start3A_123 = arith.constant 0 : i32
            %dma_start3A_124 = tpu.memref_slice %arg7[%add3A_122, %dma_start3A_123] : memref<50x40xi32, #tpu.memory_space<vmem>> -> memref<1x40xi32, #tpu.memory_space<vmem>>
            %dma_start3A_125 = tpu.memref_squeeze %dma_start3A_124 : memref<1x40xi32, #tpu.memory_space<vmem>> -> memref<40xi32, #tpu.memory_space<vmem>>
            %dma_start3A_126 = arith.constant 0 : i32
            %dma_start3A_127 = arith.constant 0 : i32
            %dma_start3A_128 = tpu.memref_slice %arg2[%dma_start3A_126, %dma_start3A_127] : memref<10000x128xf32, #tpu.memory_space<hbm>> -> memref<10000x128xf32, #tpu.memory_space<hbm>>
            tpu.enqueue_indirect_dma source(%dma_start3A_128 : memref<10000x128xf32, #tpu.memory_space<hbm>>) target(%arg11 : memref<40x128xf32, #tpu.memory_space<vmem>>) offsets(%dma_start3A_125 : memref<40xi32, #tpu.memory_space<vmem>>) semaphore(%arg15 : memref<!tpu.dma_semaphore, #tpu.memory_space<semaphore_mem>>)
          } else {
          }
        } else {
        }
      }
      %scan3A_41 = arith.constant 50 : i32
      %dma_wait3A = arith.constant 0 : i32
      %dma_wait3A_42 = arith.constant 0 : i32
      %dma_wait3A_43 = tpu.memref_slice %arg8[%dma_wait3A, %dma_wait3A_42] : memref<50x40xi32, #tpu.memory_space<vmem>> -> memref<1x40xi32, #tpu.memory_space<vmem>>
      %dma_wait3A_44 = tpu.memref_squeeze %dma_wait3A_43 : memref<1x40xi32, #tpu.memory_space<vmem>> -> memref<40xi32, #tpu.memory_space<vmem>>
      %dma_wait3A_45 = arith.constant 0 : i32
      %dma_wait3A_46 = arith.constant 0 : i32
      %dma_wait3A_47 = tpu.memref_slice %arg21[%dma_wait3A_45, %dma_wait3A_46] : memref<10240x128xf32, #tpu.memory_space<vmem_shared>> -> memref<10240x128xf32, #tpu.memory_space<vmem_shared>>
      tpu.wait_indirect_dma semaphore(%arg17 : memref<!tpu.dma_semaphore, #tpu.memory_space<semaphore_mem>>) src(%arg9 : memref<40x128xf32, #tpu.memory_space<vmem>>) dst(%dma_wait3A_47 : memref<10240x128xf32, #tpu.memory_space<vmem_shared>>)
      %dma_wait3A_48 = arith.constant 0 : i32
      %dma_wait3A_49 = arith.constant 0 : i32
      %dma_wait3A_50 = tpu.memref_slice %arg8[%dma_wait3A_48, %dma_wait3A_49] : memref<50x40xi32, #tpu.memory_space<vmem>> -> memref<1x40xi32, #tpu.memory_space<vmem>>
      %dma_wait3A_51 = tpu.memref_squeeze %dma_wait3A_50 : memref<1x40xi32, #tpu.memory_space<vmem>> -> memref<40xi32, #tpu.memory_space<vmem>>
      %dma_wait3A_52 = arith.constant 0 : i32
      %dma_wait3A_53 = arith.constant 0 : i32
      %dma_wait3A_54 = tpu.memref_slice %arg21[%dma_wait3A_52, %dma_wait3A_53] : memref<10240x128xf32, #tpu.memory_space<vmem_shared>> -> memref<10240x128xf32, #tpu.memory_space<vmem_shared>>
      tpu.wait_indirect_dma semaphore(%arg18 : memref<!tpu.dma_semaphore, #tpu.memory_space<semaphore_mem>>) src(%arg10 : memref<40x128xf32, #tpu.memory_space<vmem>>) dst(%dma_wait3A_54 : memref<10240x128xf32, #tpu.memory_space<vmem_shared>>)
      %dma_wait3A_55 = arith.constant 0 : i32
      %dma_wait3A_56 = arith.constant 0 : i32
      %dma_wait3A_57 = tpu.memref_slice %arg8[%dma_wait3A_55, %dma_wait3A_56] : memref<50x40xi32, #tpu.memory_space<vmem>> -> memref<1x40xi32, #tpu.memory_space<vmem>>
      %dma_wait3A_58 = tpu.memref_squeeze %dma_wait3A_57 : memref<1x40xi32, #tpu.memory_space<vmem>> -> memref<40xi32, #tpu.memory_space<vmem>>
      %dma_wait3A_59 = arith.constant 0 : i32
      %dma_wait3A_60 = arith.constant 0 : i32
      %dma_wait3A_61 = tpu.memref_slice %arg21[%dma_wait3A_59, %dma_wait3A_60] : memref<10240x128xf32, #tpu.memory_space<vmem_shared>> -> memref<10240x128xf32, #tpu.memory_space<vmem_shared>>
      tpu.wait_indirect_dma semaphore(%arg19 : memref<!tpu.dma_semaphore, #tpu.memory_space<semaphore_mem>>) src(%arg11 : memref<40x128xf32, #tpu.memory_space<vmem>>) dst(%dma_wait3A_61 : memref<10240x128xf32, #tpu.memory_space<vmem_shared>>)
      %dma_wait3A_62 = arith.constant 0 : i32
      %dma_wait3A_63 = arith.constant 0 : i32
      %dma_wait3A_64 = tpu.memref_slice %arg8[%dma_wait3A_62, %dma_wait3A_63] : memref<50x40xi32, #tpu.memory_space<vmem>> -> memref<1x40xi32, #tpu.memory_space<vmem>>
      %dma_wait3A_65 = tpu.memref_squeeze %dma_wait3A_64 : memref<1x40xi32, #tpu.memory_space<vmem>> -> memref<40xi32, #tpu.memory_space<vmem>>
      %dma_wait3A_66 = arith.constant 0 : i32
      %dma_wait3A_67 = arith.constant 0 : i32
      %dma_wait3A_68 = tpu.memref_slice %arg21[%dma_wait3A_66, %dma_wait3A_67] : memref<10240x128xf32, #tpu.memory_space<vmem_shared>> -> memref<10240x128xf32, #tpu.memory_space<vmem_shared>>
      tpu.wait_indirect_dma semaphore(%arg20 : memref<!tpu.dma_semaphore, #tpu.memory_space<semaphore_mem>>) src(%arg12 : memref<40x128xf32, #tpu.memory_space<vmem>>) dst(%dma_wait3A_68 : memref<10240x128xf32, #tpu.memory_space<vmem_shared>>)
    }
    %scan3A_6 = arith.constant 5 : i32
    %barrier3A_7 = arith.constant 0 : index
    tpu.barrier barrier_id(%barrier3A_7)
    %mul3A_8 = arith.constant 640 : i32
    %mul3A_9 = arith.muli %arg1, %mul3A_8 : i32
    %mul3A_10 = arith.constant 640 : i32
    %mul3A_11 = arith.muli %arg1, %mul3A_10 : i32
    "tpu.region"() ({
      %run_scoped3A = tpu.sem_alloc : memref<!tpu.dma_semaphore, #tpu.memory_space<semaphore_mem>>
      %dma_start3A = arith.constant 0 : i32
      %dma_start3A_12 = tpu.memref_slice %arg6[%arg0, %mul3A_11, %dma_start3A] : memref<2x10240x128xf32, #tpu.memory_space<hbm>> -> memref<1x640x128xf32, #tpu.memory_space<hbm>>
      %dma_start3A_13 = tpu.memref_squeeze %dma_start3A_12 : memref<1x640x128xf32, #tpu.memory_space<hbm>> -> memref<640x128xf32, #tpu.memory_space<hbm>>
      %dma_start3A_14 = arith.constant 0 : i32
      %dma_start3A_15 = tpu.memref_slice %arg21[%mul3A_9, %dma_start3A_14] : memref<10240x128xf32, #tpu.memory_space<vmem_shared>> -> memref<640x128xf32, #tpu.memory_space<vmem_shared>>
      tpu.enqueue_dma source(%dma_start3A_15 : memref<640x128xf32, #tpu.memory_space<vmem_shared>>) target(%dma_start3A_13 : memref<640x128xf32, #tpu.memory_space<hbm>>) target_semaphore(%run_scoped3A : memref<!tpu.dma_semaphore, #tpu.memory_space<semaphore_mem>>)
      %dma_wait3A = arith.constant 0 : i32
      %dma_wait3A_16 = tpu.memref_slice %arg6[%arg0, %mul3A_11, %dma_wait3A] : memref<2x10240x128xf32, #tpu.memory_space<hbm>> -> memref<1x640x128xf32, #tpu.memory_space<hbm>>
      %dma_wait3A_17 = tpu.memref_squeeze %dma_wait3A_16 : memref<1x640x128xf32, #tpu.memory_space<hbm>> -> memref<640x128xf32, #tpu.memory_space<hbm>>
      %dma_wait3A_18 = arith.constant 0 : i32
      %dma_wait3A_19 = tpu.memref_slice %arg21[%mul3A_9, %dma_wait3A_18] : memref<10240x128xf32, #tpu.memory_space<vmem_shared>> -> memref<640x128xf32, #tpu.memory_space<vmem_shared>>
      tpu.wait_dma2 semaphore(%run_scoped3A : memref<!tpu.dma_semaphore, #tpu.memory_space<semaphore_mem>>) src(%dma_wait3A_19 : memref<640x128xf32, #tpu.memory_space<vmem_shared>>) dst(%dma_wait3A_17 : memref<640x128xf32, #tpu.memory_space<hbm>>)
      tpu.yield
    }) : () -> ()
    return
  }
}

module attributes {stable_mosaic.version = 14 : i64} {
  func.func @_h1_body(%arg0: i32, %arg1: memref<5000x128xf32, #tpu.memory_space<vmem>>, %arg2: memref<128x128xf32, #tpu.memory_space<vmem>>, %arg3: memref<5000x128xf32, #tpu.memory_space<vmem>>) attributes {dimension_semantics = [#tpu.dimension_semantics<arbitrary>], iteration_bounds = array<i64: 2>, scalar_prefetch = 0 : i64, scratch_operands = 0 : i64, tpu.core_type = #tpu.core_type<tc>, window_params = [{transform_indices = @transform_0, window_bounds = array<i64: 5000, 128>}, {pipeline_mode = #tpu.pipeline_mode<synchronous>, transform_indices = @transform_1, window_bounds = array<i64: 128, 128>}, {transform_indices = @transform_2, window_bounds = array<i64: 5000, 128>}]} {
    %get3A = arith.constant 0 : index
    %get3A_0 = arith.constant 0 : index
    %get3A_1 = vector.load %arg1[%get3A, %get3A_0] : memref<5000x128xf32, #tpu.memory_space<vmem>>, vector<5000x128xf32>
    %get3A_2 = arith.constant 0 : index
    %get3A_3 = arith.constant 0 : index
    %get3A_4 = vector.load %arg2[%get3A_2, %get3A_3] : memref<128x128xf32, #tpu.memory_space<vmem>>, vector<128x128xf32>
    %dot_general3A = arith.constant dense<0.000000e+00> : vector<5000x128xf32>
    %dot_general3A_5 = tpu.matmul %get3A_1, %get3A_4, %dot_general3A {dimension_numbers = #tpu.dot_dimension_numbers<[1], [0], [0], [1], [0, 0, 1, 1], [], []>, transpose_lhs_hint = false} : vector<5000x128xf32>, vector<128x128xf32>, vector<5000x128xf32> -> vector<5000x128xf32>
    %swap3A = arith.constant 0 : index
    %swap3A_6 = arith.constant 0 : index
    %swap3A_7 = vector.load %arg3[%swap3A, %swap3A_6] : memref<5000x128xf32, #tpu.memory_space<vmem>>, vector<5000x128xf32>
    tpu.vector_store %arg3[%swap3A, %swap3A_6], %dot_general3A_5 {strides = array<i32>} : memref<5000x128xf32, #tpu.memory_space<vmem>>, vector<5000x128xf32>,
    return
  }
  func.func @transform_0(%arg0: i32) -> (i32, i32) {
    %c0_i32 = arith.constant 0 : i32
    %c0_i32_0 = arith.constant 0 : i32
    return %arg0, %c0_i32 : i32, i32
  }
  func.func @transform_1(%arg0: i32) -> (i32, i32) {
    %c0_i32 = arith.constant 0 : i32
    %c0_i32_0 = arith.constant 0 : i32
    %c0_i32_1 = arith.constant 0 : i32
    return %c0_i32, %c0_i32_0 : i32, i32
  }
  func.func @transform_2(%arg0: i32) -> (i32, i32) {
    %c0_i32 = arith.constant 0 : i32
    %c0_i32_0 = arith.constant 0 : i32
    return %arg0, %c0_i32 : i32, i32
  }
}

module attributes {stable_mosaic.version = 14 : i64} {
  func.func @_mm1_body(%arg0: i32, %arg1: memref<5000x32xf32, #tpu.memory_space<vmem>>, %arg2: memref<5000x128xf32, #tpu.memory_space<vmem>>, %arg3: memref<5000x128xf32, #tpu.memory_space<vmem>>, %arg4: memref<5000x1xf32, #tpu.memory_space<vmem>>) attributes {dimension_semantics = [#tpu.dimension_semantics<arbitrary>], iteration_bounds = array<i64: 2>, scalar_prefetch = 0 : i64, scratch_operands = 0 : i64, tpu.core_type = #tpu.core_type<tc>, window_params = [{transform_indices = @transform_0, window_bounds = array<i64: 5000, 32>}, {transform_indices = @transform_1, window_bounds = array<i64: 5000, 128>}, {transform_indices = @transform_2, window_bounds = array<i64: 5000, 128>}, {transform_indices = @transform_3, window_bounds = array<i64: 5000, 1>}]} {
    %get3A = arith.constant 0 : index
    %get3A_0 = arith.constant 0 : index
    %get3A_1 = vector.load %arg1[%get3A, %get3A_0] : memref<5000x32xf32, #tpu.memory_space<vmem>>, vector<5000x32xf32>
    %reduce_sum3A = arith.constant dense<0.000000e+00> : vector<5000xf32>
    %reduce_sum3A_2 = vector.multi_reduction <add>, %get3A_1, %reduce_sum3A [1] : vector<5000x32xf32> to vector<5000xf32>
    %add3A = arith.constant 1.000000e+00 : f32
    %add3A_3 = vector.broadcast %add3A : f32 to vector<5000xf32>
    %add3A_4 = arith.addf %reduce_sum3A_2, %add3A_3 : vector<5000xf32>
    %rsqrt3A = math.rsqrt %add3A_4 : vector<5000xf32>
    %get3A_5 = arith.constant 0 : index
    %get3A_6 = arith.constant 0 : index
    %get3A_7 = vector.load %arg2[%get3A_5, %get3A_6] : memref<5000x128xf32, #tpu.memory_space<vmem>>, vector<5000x128xf32>
    %broadcast_in_dim3A = vector.shape_cast %rsqrt3A : vector<5000xf32> to vector<5000x1xf32>
    %mul3A = vector.broadcast %broadcast_in_dim3A : vector<5000x1xf32> to vector<5000x128xf32>
    %mul3A_8 = arith.mulf %get3A_7, %mul3A : vector<5000x128xf32>
    %swap3A = arith.constant 0 : index
    %swap3A_9 = arith.constant 0 : index
    %swap3A_10 = vector.load %arg3[%swap3A, %swap3A_9] : memref<5000x128xf32, #tpu.memory_space<vmem>>, vector<5000x128xf32>
    tpu.vector_store %arg3[%swap3A, %swap3A_9], %mul3A_8 {strides = array<i32>} : memref<5000x128xf32, #tpu.memory_space<vmem>>, vector<5000x128xf32>,
    %broadcast_in_dim3A_11 = vector.shape_cast %rsqrt3A : vector<5000xf32> to vector<5000x1xf32>
    %swap3A_12 = arith.constant 0 : index
    %swap3A_13 = arith.constant 0 : index
    %swap3A_14 = vector.load %arg4[%swap3A_12, %swap3A_13] : memref<5000x1xf32, #tpu.memory_space<vmem>>, vector<5000x1xf32>
    tpu.vector_store %arg4[%swap3A_12, %swap3A_13], %broadcast_in_dim3A_11 {strides = array<i32>} : memref<5000x1xf32, #tpu.memory_space<vmem>>, vector<5000x1xf32>,
    return
  }
  func.func @transform_0(%arg0: i32) -> (i32, i32) {
    %c0_i32 = arith.constant 0 : i32
    %c0_i32_0 = arith.constant 0 : i32
    return %arg0, %c0_i32 : i32, i32
  }
  func.func @transform_1(%arg0: i32) -> (i32, i32) {
    %c0_i32 = arith.constant 0 : i32
    %c0_i32_0 = arith.constant 0 : i32
    return %arg0, %c0_i32 : i32, i32
  }
  func.func @transform_2(%arg0: i32) -> (i32, i32) {
    %c0_i32 = arith.constant 0 : i32
    %c0_i32_0 = arith.constant 0 : i32
    return %arg0, %c0_i32 : i32, i32
  }
  func.func @transform_3(%arg0: i32) -> (i32, i32) {
    %c0_i32 = arith.constant 0 : i32
    %c0_i32_0 = arith.constant 0 : i32
    return %arg0, %c0_i32 : i32, i32
  }
}

module attributes {stable_mosaic.version = 14 : i64} {
  func.func @_mid_body(%arg0: i32, %arg1: memref<2x5000x128xf32, #tpu.memory_space<vmem>>, %arg2: memref<5000x128xf32, #tpu.memory_space<vmem>>, %arg3: memref<5000x1xf32, #tpu.memory_space<vmem>>, %arg4: memref<1x128xf32, #tpu.memory_space<vmem>>, %arg5: memref<128x128xf32, #tpu.memory_space<vmem>>, %arg6: memref<5000x128xf32, #tpu.memory_space<vmem>>) attributes {dimension_semantics = [#tpu.dimension_semantics<arbitrary>], iteration_bounds = array<i64: 2>, scalar_prefetch = 0 : i64, scratch_operands = 0 : i64, tpu.core_type = #tpu.core_type<tc>, window_params = [{transform_indices = @transform_0, window_bounds = array<i64: 2, 5000, 128>}, {transform_indices = @transform_1, window_bounds = array<i64: 5000, 128>}, {transform_indices = @transform_2, window_bounds = array<i64: 5000, 1>}, {pipeline_mode = #tpu.pipeline_mode<synchronous>, transform_indices = @transform_3, window_bounds = array<i64: 1, 128>}, {pipeline_mode = #tpu.pipeline_mode<synchronous>, transform_indices = @transform_4, window_bounds = array<i64: 128, 128>}, {transform_indices = @transform_5, window_bounds = array<i64: 5000, 128>}]} {
    %get3A = arith.constant 0 : index
    %get3A_0 = arith.constant 0 : index
    %get3A_1 = vector.load %arg3[%get3A, %get3A_0] : memref<5000x1xf32, #tpu.memory_space<vmem>>, vector<5000x1xf32>
    %get3A_2 = arith.constant 0 : index
    %get3A_3 = arith.constant 0 : index
    %get3A_4 = arith.constant 0 : index
    %get3A_5 = vector.load %arg1[%get3A_2, %get3A_3, %get3A_4] : memref<2x5000x128xf32, #tpu.memory_space<vmem>>, vector<2x5000x128xf32>
    %slice3A = vector.extract_strided_slice %get3A_5 {offsets = [0, 0, 0], sizes = [1, 5000, 128], strides = [1, 1, 1]} : vector<2x5000x128xf32> to vector<1x5000x128xf32>
    %squeeze3A = vector.shape_cast %slice3A : vector<1x5000x128xf32> to vector<5000x128xf32>
    %slice3A_6 = vector.extract_strided_slice %get3A_5 {offsets = [1, 0, 0], sizes = [1, 5000, 128], strides = [1, 1, 1]} : vector<2x5000x128xf32> to vector<1x5000x128xf32>
    %squeeze3A_7 = vector.shape_cast %slice3A_6 : vector<1x5000x128xf32> to vector<5000x128xf32>
    %add3A = arith.addf %squeeze3A, %squeeze3A_7 : vector<5000x128xf32>
    %get3A_8 = arith.constant 0 : index
    %get3A_9 = arith.constant 0 : index
    %get3A_10 = vector.load %arg2[%get3A_8, %get3A_9] : memref<5000x128xf32, #tpu.memory_space<vmem>>, vector<5000x128xf32>
    %add3A_11 = arith.addf %add3A, %get3A_10 : vector<5000x128xf32>
    %mul3A = vector.broadcast %get3A_1 : vector<5000x1xf32> to vector<5000x128xf32>
    %mul3A_12 = arith.mulf %mul3A, %add3A_11 : vector<5000x128xf32>
    %get3A_13 = arith.constant 0 : index
    %get3A_14 = arith.constant 0 : index
    %get3A_15 = vector.load %arg4[%get3A_13, %get3A_14] : memref<1x128xf32, #tpu.memory_space<vmem>>, vector<1x128xf32>
    %add3A_16 = vector.broadcast %get3A_15 : vector<1x128xf32> to vector<5000x128xf32>
    %add3A_17 = arith.addf %mul3A_12, %add3A_16 : vector<5000x128xf32>
    %max3A = arith.constant 0.000000e+00 : f32
    %max3A_18 = vector.broadcast %max3A : f32 to vector<5000x128xf32>
    %max3A_19 = arith.maximumf %add3A_17, %max3A_18 : vector<5000x128xf32>
    %get3A_20 = arith.constant 0 : index
    %get3A_21 = arith.constant 0 : index
    %get3A_22 = vector.load %arg5[%get3A_20, %get3A_21] : memref<128x128xf32, #tpu.memory_space<vmem>>, vector<128x128xf32>
    %dot_general3A = arith.constant dense<0.000000e+00> : vector<5000x128xf32>
    %dot_general3A_23 = tpu.matmul %max3A_19, %get3A_22, %dot_general3A {dimension_numbers = #tpu.dot_dimension_numbers<[1], [0], [0], [1], [0, 0, 1, 1], [], []>, transpose_lhs_hint = false} : vector<5000x128xf32>, vector<128x128xf32>, vector<5000x128xf32> -> vector<5000x128xf32>
    %mul3A_24 = vector.broadcast %get3A_1 : vector<5000x1xf32> to vector<5000x128xf32>
    %mul3A_25 = arith.mulf %dot_general3A_23, %mul3A_24 : vector<5000x128xf32>
    %swap3A = arith.constant 0 : index
    %swap3A_26 = arith.constant 0 : index
    %swap3A_27 = vector.load %arg6[%swap3A, %swap3A_26] : memref<5000x128xf32, #tpu.memory_space<vmem>>, vector<5000x128xf32>
    tpu.vector_store %arg6[%swap3A, %swap3A_26], %mul3A_25 {strides = array<i32>} : memref<5000x128xf32, #tpu.memory_space<vmem>>, vector<5000x128xf32>,
    return
  }
  func.func @transform_0(%arg0: i32) -> (i32, i32, i32) {
    %c0_i32 = arith.constant 0 : i32
    %c0_i32_0 = arith.constant 0 : i32
    %c0_i32_1 = arith.constant 0 : i32
    return %c0_i32, %arg0, %c0_i32_0 : i32, i32, i32
  }
  func.func @transform_1(%arg0: i32) -> (i32, i32) {
    %c0_i32 = arith.constant 0 : i32
    %c0_i32_0 = arith.constant 0 : i32
    return %arg0, %c0_i32 : i32, i32
  }
  func.func @transform_2(%arg0: i32) -> (i32, i32) {
    %c0_i32 = arith.constant 0 : i32
    %c0_i32_0 = arith.constant 0 : i32
    return %arg0, %c0_i32 : i32, i32
  }
  func.func @transform_3(%arg0: i32) -> (i32, i32) {
    %c0_i32 = arith.constant 0 : i32
    %c0_i32_0 = arith.constant 0 : i32
    %c0_i32_1 = arith.constant 0 : i32
    return %c0_i32, %c0_i32_0 : i32, i32
  }
  func.func @transform_4(%arg0: i32) -> (i32, i32) {
    %c0_i32 = arith.constant 0 : i32
    %c0_i32_0 = arith.constant 0 : i32
    %c0_i32_1 = arith.constant 0 : i32
    return %c0_i32, %c0_i32_0 : i32, i32
  }
  func.func @transform_5(%arg0: i32) -> (i32, i32) {
    %c0_i32 = arith.constant 0 : i32
    %c0_i32_0 = arith.constant 0 : i32
    return %arg0, %c0_i32 : i32, i32
  }
}

module attributes {stable_mosaic.version = 14 : i64} {
  func.func @_pool_body(%arg0: i32, %arg1: memref<2x5000x128xf32, #tpu.memory_space<vmem>>, %arg2: memref<5000x128xf32, #tpu.memory_space<vmem>>, %arg3: memref<5000x1xf32, #tpu.memory_space<vmem>>, %arg4: memref<1x128xf32, #tpu.memory_space<vmem>>, %arg5: memref<5000x1xi32, #tpu.memory_space<vmem>>, %arg6: memref<128x128xf32, #tpu.memory_space<vmem>>, %arg7: memref<1x128xf32, #tpu.memory_space<vmem>>, %arg8: memref<16x128xf32, #tpu.memory_space<vmem>>, %arg9: memref<16x128xf32, #tpu.memory_space<vmem>>, %arg10: memref<16x1xf32, #tpu.memory_space<vmem>>) attributes {dimension_semantics = [#tpu.dimension_semantics<arbitrary>], iteration_bounds = array<i64: 2>, scalar_prefetch = 0 : i64, scratch_operands = 2 : i64, tpu.core_type = #tpu.core_type<tc>, window_params = [{transform_indices = @transform_0, window_bounds = array<i64: 2, 5000, 128>}, {transform_indices = @transform_1, window_bounds = array<i64: 5000, 128>}, {transform_indices = @transform_2, window_bounds = array<i64: 5000, 1>}, {pipeline_mode = #tpu.pipeline_mode<synchronous>, transform_indices = @transform_3, window_bounds = array<i64: 1, 128>}, {transform_indices = @transform_4, window_bounds = array<i64: 5000, 1>}, {pipeline_mode = #tpu.pipeline_mode<synchronous>, transform_indices = @transform_5, window_bounds = array<i64: 128, 128>}, {pipeline_mode = #tpu.pipeline_mode<synchronous>, transform_indices = @transform_6, window_bounds = array<i64: 1, 128>}, {pipeline_mode = #tpu.pipeline_mode<synchronous>, transform_indices = @transform_7, window_bounds = array<i64: 16, 128>}]} {
    %eq3A = arith.constant 0 : i32
    %eq3A_0 = arith.cmpi eq, %arg0, %eq3A : i32
    %convert_element_type3A = arith.extui %eq3A_0 : i1 to i32
    %cond3A = arith.constant 0 : i32
    %cond3A_1 = arith.cmpi ne, %convert_element_type3A, %cond3A : i32
    scf.if %cond3A_1 {
      %broadcast_in_dim3A_47 = arith.constant 0.000000e+00 : f32
      %broadcast_in_dim3A_48 = vector.broadcast %broadcast_in_dim3A_47 : f32 to vector<16x128xf32>
      %swap3A_49 = arith.constant 0 : index
      %swap3A_50 = arith.constant 0 : index
      %swap3A_51 = vector.load %arg9[%swap3A_49, %swap3A_50] : memref<16x128xf32, #tpu.memory_space<vmem>>, vector<16x128xf32>
      tpu.vector_store %arg9[%swap3A_49, %swap3A_50], %broadcast_in_dim3A_48 {strides = array<i32>} : memref<16x128xf32, #tpu.memory_space<vmem>>, vector<16x128xf32>,
      %broadcast_in_dim3A_52 = arith.constant 0.000000e+00 : f32
      %broadcast_in_dim3A_53 = vector.broadcast %broadcast_in_dim3A_52 : f32 to vector<16x1xf32>
      %swap3A_54 = arith.constant 0 : index
      %swap3A_55 = arith.constant 0 : index
      %swap3A_56 = vector.load %arg10[%swap3A_54, %swap3A_55] : memref<16x1xf32, #tpu.memory_space<vmem>>, vector<16x1xf32>
      tpu.vector_store %arg10[%swap3A_54, %swap3A_55], %broadcast_in_dim3A_53 {strides = array<i32>} : memref<16x1xf32, #tpu.memory_space<vmem>>, vector<16x1xf32>,
    } else {
    }
    %get3A = arith.constant 0 : index
    %get3A_2 = arith.constant 0 : index
    %get3A_3 = arith.constant 0 : index
    %get3A_4 = vector.load %arg1[%get3A, %get3A_2, %get3A_3] : memref<2x5000x128xf32, #tpu.memory_space<vmem>>, vector<2x5000x128xf32>
    %get3A_5 = arith.constant 0 : index
    %get3A_6 = arith.constant 0 : index
    %get3A_7 = vector.load %arg3[%get3A_5, %get3A_6] : memref<5000x1xf32, #tpu.memory_space<vmem>>, vector<5000x1xf32>
    %slice3A = vector.extract_strided_slice %get3A_4 {offsets = [0, 0, 0], sizes = [1, 5000, 128], strides = [1, 1, 1]} : vector<2x5000x128xf32> to vector<1x5000x128xf32>
    %squeeze3A = vector.shape_cast %slice3A : vector<1x5000x128xf32> to vector<5000x128xf32>
    %slice3A_8 = vector.extract_strided_slice %get3A_4 {offsets = [1, 0, 0], sizes = [1, 5000, 128], strides = [1, 1, 1]} : vector<2x5000x128xf32> to vector<1x5000x128xf32>
    %squeeze3A_9 = vector.shape_cast %slice3A_8 : vector<1x5000x128xf32> to vector<5000x128xf32>
    %add3A = arith.addf %squeeze3A, %squeeze3A_9 : vector<5000x128xf32>
    %get3A_10 = arith.constant 0 : index
    %get3A_11 = arith.constant 0 : index
    %get3A_12 = vector.load %arg2[%get3A_10, %get3A_11] : memref<5000x128xf32, #tpu.memory_space<vmem>>, vector<5000x128xf32>
    %add3A_13 = arith.addf %add3A, %get3A_12 : vector<5000x128xf32>
    %mul3A = vector.broadcast %get3A_7 : vector<5000x1xf32> to vector<5000x128xf32>
    %mul3A_14 = arith.mulf %mul3A, %add3A_13 : vector<5000x128xf32>
    %get3A_15 = arith.constant 0 : index
    %get3A_16 = arith.constant 0 : index
    %get3A_17 = vector.load %arg4[%get3A_15, %get3A_16] : memref<1x128xf32, #tpu.memory_space<vmem>>, vector<1x128xf32>
    %add3A_18 = vector.broadcast %get3A_17 : vector<1x128xf32> to vector<5000x128xf32>
    %add3A_19 = arith.addf %mul3A_14, %add3A_18 : vector<5000x128xf32>
    %iota3A = tpu.iota {dimensions = array<i32: 1>} : vector<5000x16xi32>
    %get3A_20 = arith.constant 0 : index
    %get3A_21 = arith.constant 0 : index
    %get3A_22 = vector.load %arg5[%get3A_20, %get3A_21] : memref<5000x1xi32, #tpu.memory_space<vmem>>, vector<5000x1xi32>
    %eq3A_23 = vector.broadcast %get3A_22 : vector<5000x1xi32> to vector<5000x16xi32>
    %eq3A_24 = arith.cmpi eq, %iota3A, %eq3A_23 : vector<5000x16xi32>
    %convert_element_type3A_25 = arith.extui %eq3A_24 : vector<5000x16xi1> to vector<5000x16xi32>
    %convert_element_type3A_26 = arith.sitofp %convert_element_type3A_25 : vector<5000x16xi32> to vector<5000x16xf32>
    %get3A_27 = arith.constant 0 : index
    %get3A_28 = arith.constant 0 : index
    %get3A_29 = vector.load %arg9[%get3A_27, %get3A_28] : memref<16x128xf32, #tpu.memory_space<vmem>>, vector<16x128xf32>
    %dot_general3A = arith.constant dense<0.000000e+00> : vector<16x128xf32>
    %dot_general3A_30 = tpu.matmul %convert_element_type3A_26, %add3A_19, %dot_general3A {dimension_numbers = #tpu.dot_dimension_numbers<[0], [0], [1], [1], [0, 1, 1, 1], [], []>, transpose_lhs_hint = false} : vector<5000x16xf32>, vector<5000x128xf32>, vector<16x128xf32> -> vector<16x128xf32>
    %add3A_31 = arith.addf %get3A_29, %dot_general3A_30 : vector<16x128xf32>
    %swap3A = arith.constant 0 : index
    %swap3A_32 = arith.constant 0 : index
    %swap3A_33 = vector.load %arg9[%swap3A, %swap3A_32] : memref<16x128xf32, #tpu.memory_space<vmem>>, vector<16x128xf32>
    tpu.vector_store %arg9[%swap3A, %swap3A_32], %add3A_31 {strides = array<i32>} : memref<16x128xf32, #tpu.memory_space<vmem>>, vector<16x128xf32>,
    %get3A_34 = arith.constant 0 : index
    %get3A_35 = arith.constant 0 : index
    %get3A_36 = vector.load %arg10[%get3A_34, %get3A_35] : memref<16x1xf32, #tpu.memory_space<vmem>>, vector<16x1xf32>
    %reduce_sum3A = arith.constant dense<0.000000e+00> : vector<16xf32>
    %reduce_sum3A_37 = vector.multi_reduction <add>, %convert_element_type3A_26, %reduce_sum3A [0] : vector<5000x16xf32> to vector<16xf32>
    %broadcast_in_dim3A = vector.shape_cast %reduce_sum3A_37 : vector<16xf32> to vector<16x1xf32>
    %add3A_38 = arith.addf %get3A_36, %broadcast_in_dim3A : vector<16x1xf32>
    %swap3A_39 = arith.constant 0 : index
    %swap3A_40 = arith.constant 0 : index
    %swap3A_41 = vector.load %arg10[%swap3A_39, %swap3A_40] : memref<16x1xf32, #tpu.memory_space<vmem>>, vector<16x1xf32>
    tpu.vector_store %arg10[%swap3A_39, %swap3A_40], %add3A_38 {strides = array<i32>} : memref<16x1xf32, #tpu.memory_space<vmem>>, vector<16x1xf32>,
    %eq3A_42 = arith.constant 1 : i32
    %eq3A_43 = arith.cmpi eq, %arg0, %eq3A_42 : i32
    %convert_element_type3A_44 = arith.extui %eq3A_43 : i1 to i32
    %cond3A_45 = arith.constant 0 : i32
    %cond3A_46 = arith.cmpi ne, %convert_element_type3A_44, %cond3A_45 : i32
    scf.if %cond3A_46 {
      %get3A_47 = arith.constant 0 : index
      %get3A_48 = arith.constant 0 : index
      %get3A_49 = vector.load %arg9[%get3A_47, %get3A_48] : memref<16x128xf32, #tpu.memory_space<vmem>>, vector<16x128xf32>
      %get3A_50 = arith.constant 0 : index
      %get3A_51 = arith.constant 0 : index
      %get3A_52 = vector.load %arg10[%get3A_50, %get3A_51] : memref<16x1xf32, #tpu.memory_space<vmem>>, vector<16x1xf32>
      %max3A = arith.constant 1.000000e+00 : f32
      %max3A_53 = vector.broadcast %max3A : f32 to vector<16x1xf32>
      %max3A_54 = arith.maximumf %get3A_52, %max3A_53 : vector<16x1xf32>
      %div3A = vector.broadcast %max3A_54 : vector<16x1xf32> to vector<16x128xf32>
      %div3A_55 = arith.divf %get3A_49, %div3A : vector<16x128xf32>
      %get3A_56 = arith.constant 0 : index
      %get3A_57 = arith.constant 0 : index
      %get3A_58 = vector.load %arg6[%get3A_56, %get3A_57] : memref<128x128xf32, #tpu.memory_space<vmem>>, vector<128x128xf32>
      %dot_general3A_59 = arith.constant dense<0.000000e+00> : vector<16x128xf32>
      %dot_general3A_60 = tpu.matmul %div3A_55, %get3A_58, %dot_general3A_59 {dimension_numbers = #tpu.dot_dimension_numbers<[1], [0], [0], [1], [0, 0, 1, 1], [], []>, transpose_lhs_hint = false} : vector<16x128xf32>, vector<128x128xf32>, vector<16x128xf32> -> vector<16x128xf32>
      %get3A_61 = arith.constant 0 : index
      %get3A_62 = arith.constant 0 : index
      %get3A_63 = vector.load %arg7[%get3A_61, %get3A_62] : memref<1x128xf32, #tpu.memory_space<vmem>>, vector<1x128xf32>
      %add3A_64 = vector.broadcast %get3A_63 : vector<1x128xf32> to vector<16x128xf32>
      %add3A_65 = arith.addf %dot_general3A_60, %add3A_64 : vector<16x128xf32>
      %swap3A_66 = arith.constant 0 : index
      %swap3A_67 = arith.constant 0 : index
      %swap3A_68 = vector.load %arg8[%swap3A_66, %swap3A_67] : memref<16x128xf32, #tpu.memory_space<vmem>>, vector<16x128xf32>
      tpu.vector_store %arg8[%swap3A_66, %swap3A_67], %add3A_65 {strides = array<i32>} : memref<16x128xf32, #tpu.memory_space<vmem>>, vector<16x128xf32>,
    } else {
    }
    return
  }
  func.func @transform_0(%arg0: i32) -> (i32, i32, i32) {
    %c0_i32 = arith.constant 0 : i32
    %c0_i32_0 = arith.constant 0 : i32
    %c0_i32_1 = arith.constant 0 : i32
    return %c0_i32, %arg0, %c0_i32_0 : i32, i32, i32
  }
  func.func @transform_1(%arg0: i32) -> (i32, i32) {
    %c0_i32 = arith.constant 0 : i32
    %c0_i32_0 = arith.constant 0 : i32
    return %arg0, %c0_i32 : i32, i32
  }
  func.func @transform_2(%arg0: i32) -> (i32, i32) {
    %c0_i32 = arith.constant 0 : i32
    %c0_i32_0 = arith.constant 0 : i32
    return %arg0, %c0_i32 : i32, i32
  }
  func.func @transform_3(%arg0: i32) -> (i32, i32) {
    %c0_i32 = arith.constant 0 : i32
    %c0_i32_0 = arith.constant 0 : i32
    %c0_i32_1 = arith.constant 0 : i32
    return %c0_i32, %c0_i32_0 : i32, i32
  }
  func.func @transform_4(%arg0: i32) -> (i32, i32) {
    %c0_i32 = arith.constant 0 : i32
    %c0_i32_0 = arith.constant 0 : i32
    return %arg0, %c0_i32 : i32, i32
  }
  func.func @transform_5(%arg0: i32) -> (i32, i32) {
    %c0_i32 = arith.constant 0 : i32
    %c0_i32_0 = arith.constant 0 : i32
    %c0_i32_1 = arith.constant 0 : i32
    return %c0_i32, %c0_i32_0 : i32, i32
  }
  func.func @transform_6(%arg0: i32) -> (i32, i32) {
    %c0_i32 = arith.constant 0 : i32
    %c0_i32_0 = arith.constant 0 : i32
    %c0_i32_1 = arith.constant 0 : i32
    return %c0_i32, %c0_i32_0 : i32, i32
  }
  func.func @transform_7(%arg0: i32) -> (i32, i32) {
    %c0_i32 = arith.constant 0 : i32
    %c0_i32_0 = arith.constant 0 : i32
    %c0_i32_1 = arith.constant 0 : i32
    return %c0_i32, %c0_i32_0 : i32, i32
  }
}

</mosaic_0001>

<sc_bundles>
// kernel: kernel.12.cloned.1.call-start
scs
__scs_entry_jumppad:
0x0: {  	(pc) =	sbr.rel $0x88, $3  }
0x1: {  	(tag) =	ssettag $0x0;
	lr =	simm.s32 $0x1  }
0x2: {  	[smem:$0x3F98] =	sst lr;
	_ =	strace $0xD0000000  }
0x3: {  	_ = 	snop  }
0x4: {  	_ = 	snop  }
0x5: {  	_ = 	snop  }
0x6: {  	_ = 	snop  }
0x7: {  	_ = 	snop  }
__scs_overlays_trampoline_lowered:
0x8: {  	[smem:$0x3FA7] =	sst s0  }
0x9: {  	[smem:$0x3FA8] =	sst s1  }
0xa: {  	[smem:$0x3FA9] =	sst s2  }
0xb: {  	[smem:$0x3FAA] =	sst s3  }
0xc: {  	[smem:$0x3FAB] =	sst s4  }
0xd: {  	[smem:$0x3FAC] =	sst s5  }
0xe: {  	[smem:$0x3FAD] =	sst s6  }
0xf: {  	[smem:$0x3FAE] =	sst s7  }
0x10: {  	[smem:$0x3FAF] =	sst s8  }
0x11: {  	[smem:$0x3FB0] =	sst s9;
	s0 =	simm.s32 @!p0 $0x0  }
0x12: {  	s1 =	sld [smem:$0x3F96];
	s0 =	simm.s32 @p0 $0x1  }
0x13: {  	[smem:$0x3FB1] =	sst s0;
	s0 =	simm.s32 @!p1 $0x0  }
0x14: {  	s2 =	sld [smem:$0x3F95];
	s0 =	simm.s32 @p1 $0x1  }
0x15: {  	[smem:$0x3FB2] =	sst s0;
	s0 =	simm.s32 @!p2 $0x0  }
0x16: {  	s3 =	sld [smem:$0x3FDB];
	s0 =	simm.s32 @p2 $0x1  }
0x17: {  	s4 =	simm.s32 $0x1BF5;
	[smem:$0x3FB4] =	sst s0  }
0x18: {  	s0 =	sld [smem:$0x3F97];
	_ =	swait.ge [sflag:s4], $0x0  }
0x19: {  	s7 =	sld [smem:$0x3F98]  }
0x1a: {  	s8 =	sadd.s32 $0xFFFFE003, lr  }
0x1b: {  	s9 =	sadd.s32 $0xFFFFFEF7, lr;
	s5 =	simm.s32 $0xFFFFFFFF;
	p2 =	slt.u32 s8, $0xFFFFF086  }
0x1c: {  	p1 =	slt.u32 s9, $0xF7A;
	s5 =	simm.s32 @!p2 $0x0  }
0x1d: {  	s5 =	simm.s32 @p1 $0x1;
	p0 =	seq.s32 s7, s2  }
0x1e: {  	s7 =	smul.u32 @!p0 $0xF7A, s2;
	p2 =	seq.s32 @!p0 s5, $0x0  }
0x1f: {  	s9 =	smul.u32 $0xF7A, s1;
	s8 =	simm.s32 @!p0 $0x1BF5;
	p2 =	por !p2, p0  }
0x20: {  	[sflag:s8] =	ssyncset.s32 @!p0 $0xFFFFF086;
	s6 =	sadd.s32 @!p0 s3, s7;
	s7 =	simm.s32 @!p0 $0x108  }
0x21: {  	s3 =	sadd.s32 s3, s9;
	s6 =	sadd.s32 @!p0 $0x88, s6;
	s7 =	simm.s32 @p2 $0x1082  }
0x22: {  	[simem:s7], [sflag:s8] =	dma.local @!p0 [hbm:s6], $0xF7A  }
0x23: {  	s9 =	sor.u32 $0xD0000000, s2;
	s6 =	simm.s32 $0x108;
	_ =	swait.ge @!p0 [sflag:s8], $0x0  }
0x24: {  	s3 =	sadd.s32 $0x88, s3;
	s6 =	simm.s32 @!p1 $0x1082;
	[sflag:s4] =	ssyncset.s32 $0xFFFFF086  }
0x25: {  	[simem:s6], [sflag:s4] =	dma.local [hbm:s3], $0xF7A  }
0x26: {  	[smem:$0x3F98] =	sst s1;
	(tag) =	ssettag s2;
	_ =	strace s9  }
0x27: {  	s1 =	sld [smem:$0x3FA8]  }
0x28: {  	s2 =	sld [smem:$0x3FA9]  }
0x29: {  	s4 =	sld [smem:$0x3FAB]  }
0x2a: {  	p0 =	seq.s32 s5, $0x0;
	s5 =	sld [smem:$0x3FAC]  }
0x2b: {  	s6 =	sld [smem:$0x3FAD]  }
0x2c: {  	s7 =	sld [smem:$0x3FAE]  }
0x2d: {  	s3 =	simm.s32 $0x108;
	s8 =	sld [smem:$0x3FAF]  }
0x2e: {  	s3 =	simm.s32 @!p0 $0x1082;
	s9 =	sld [smem:$0x3FB0]  }
0x2f: {  	lr =	sadd.s32 s0, s3;
	s0 =	sld [smem:$0x3FA7]  }
0x30: {  	s3 =	sld [smem:$0x3FAA]  }
0x31: {  	[smem:$0x3FB3] =	sst s10  }
0x32: {  	s10 =	sld [smem:$0x3FB1];
	_ =	sdelay $0x3  }
0x33: {  	p0 =	seq.s32 s10, $0x1;
	s10 =	sld [smem:$0x3FB3];
	_ =	sdelay $0x3  }
0x34: {  	[smem:$0x3FB3] =	sst s10  }
0x35: {  	s10 =	sld [smem:$0x3FB2];
	_ =	sdelay $0x3  }
0x36: {  	p1 =	seq.s32 s10, $0x1;
	s10 =	sld [smem:$0x3FB3];
	_ =	sdelay $0x3  }
0x37: {  	[smem:$0x3FB3] =	sst s10  }
0x38: {  	s10 =	sld [smem:$0x3FB4]  }
0x39: {  	_ = 	snop;
	(pc) =	sbr.ind lr, $3  }
0x3a: {  	_ = 	snop  }
0x3b: {  	_ = 	snop  }
0x3c: {  	p2 =	seq.s32 s10, $0x1;
	s10 =	sld [smem:$0x3FB3]  }
0x3d: {  	_ =	shalt  }
0x3e: {  	_ =	shalt  }
0x3f: {  	_ =	shalt  }
0x40: {  	_ =	shalt  }
0x41: {  	_ =	shalt  }
0x42: {  	_ =	shalt  }
0x43: {  	_ =	shalt  }
0x44: {  	_ =	shalt  }
0x45: {  	_ =	shalt  }
0x46: {  	_ =	shalt  }
0x47: {  	_ =	shalt  }
0x48: {  	_ =	shalt  }
0x49: {  	_ =	shalt  }
0x4a: {  	_ =	shalt  }
0x4b: {  	_ =	shalt  }
0x4c: {  	_ =	shalt  }
0x4d: {  	_ =	shalt  }
0x4e: {  	_ =	shalt  }
0x4f: {  	_ =	shalt  }
0x50: {  	_ =	shalt  }
0x51: {  	_ =	shalt  }
0x52: {  	_ =	shalt  }
0x53: {  	_ =	shalt  }
0x54: {  	_ =	shalt  }
0x55: {  	_ =	shalt  }
0x56: {  	_ =	shalt  }
0x57: {  	_ =	shalt  }
0x58: {  	_ =	shalt  }
0x59: {  	_ =	shalt  }
0x5a: {  	_ =	shalt  }
0x5b: {  	_ =	shalt  }
0x5c: {  	_ =	shalt  }
0x5d: {  	_ =	shalt  }
0x5e: {  	_ =	shalt  }
0x5f: {  	_ =	shalt  }
0x60: {  	_ =	shalt  }
0x61: {  	_ =	shalt  }
0x62: {  	_ =	shalt  }
0x63: {  	_ =	shalt  }
0x64: {  	_ =	shalt  }
0x65: {  	_ =	shalt  }
0x66: {  	_ =	shalt  }
0x67: {  	_ =	shalt  }
0x68: {  	_ =	shalt  }
0x69: {  	_ =	shalt  }
0x6a: {  	_ =	shalt  }
0x6b: {  	_ =	shalt  }
0x6c: {  	_ =	shalt  }
0x6d: {  	_ =	shalt  }
0x6e: {  	_ =	shalt  }
0x6f: {  	_ =	shalt  }
0x70: {  	_ =	shalt  }
0x71: {  	_ =	shalt  }
0x72: {  	_ =	shalt  }
0x73: {  	_ =	shalt  }
0x74: {  	_ =	shalt  }
0x75: {  	_ =	shalt  }
0x76: {  	_ =	shalt  }
0x77: {  	_ =	shalt  }
0x78: {  	_ =	shalt  }
0x79: {  	_ =	shalt  }
0x7a: {  	_ =	shalt  }
0x7b: {  	_ =	shalt  }
0x7c: {  	_ =	shalt  }
0x7d: {  	_ =	shalt  }
0x7e: {  	_ =	shalt  }
0x7f: {  	_ =	shalt  }
0x80: {  	_ =	shalt  }
0x81: {  	_ =	shalt  }
0x82: {  	_ =	shalt  }
0x83: {  	_ =	shalt  }
0x84: {  	_ =	shalt  }
0x85: {  	_ =	shalt  }
0x86: {  	_ =	shalt  }
0x87: {  	_ =	shalt  }
.Lfunc_end0:
.L_simem_size_0:
called_computation.1_lowered:
.L_overlay_start_0:
0x88: {  	s2 =	sld [smem:$0x3FD9]  }
0x89: {  	s3 =	sld [smem:$0x3FFE];
	_ =	sdelay $0x1  }
0x8a: {  	s1 =	srdreg.scid  }
0x8b: {  	s0 =	sand.u32 $0x1, s1  }
0x8c: {  	s16 =	sshll.u32 s0, $0xA;
	s2 =	sadd.s32 s3, s2  }
0x8d: {  	s2 =	sadd.s32 s2, s16  }
0x8e: {  	[smem:$0x3FBF] =	sst s2  }
0x8f: {  	_ = 	snop  }
0x90: {  	(tm) =	ssettm $0x1  }
0x91: {  	s17 =	sld [smem:$0x3FFB];
	_ =	sdelay $0x3  }
0x92: {  	_ =	strace s17  }
0x93: {  	s2 =	sld [smem:$0x3FFC];
	_ =	sdelay $0x3  }
0x94: {  	_ =	strace s2  }
0x95: {  	s2 =	sld [smem:$0x3FFD];
	_ =	sdelay $0x3  }
0x96: {  	_ =	strace s2  }
0x97: {  	_ =	strace $0x8FFFFFFF  }
0x98: {  	s18 =	sld [smem:$0x3FDB];
	_ =	sdelay $0x1  }
0x99: {  	s19 =	simm.s32 $_scs_section_size  }
0x9a: {  	s4 =	simm.s32 $_size__tile_overlayer_lowered;
	s5 =	simm.s32 $_tile_overlayer_lowered  }
0x9b: {  	s22 =	simm.s32 $0x1BFF;
	s21 =	sshll.u32 s5, $0x1;
	s2 =	sadd.s32 s19, s18  }
0x9c: {  	s6 =	simm.s32 $0x0;
	s20 =	sshll.u32 s4, $0x1;
	s4 =	sadd.s32 s21, s2  }
0x9d: {  	[timem:s6], [sflag:s22] =	dma.local [hbm:s4], s20  }
0x9e: {  	_ =	swait.ge [sflag:s22], s20  }
0x9f: {  	s3 =	ssub.s32 $0x0, s20;
	[sflag:s22] =	ssyncset.done $0x0  }
0xa0: {  	[sflag:s22] =	ssyncadd.s32 s3;
	_ =	sdelay $0x1  }
0xa1: {  	s23 =	simm.s32 $0x1B8B  }
0xa2: {  	_ =	swait.ge [sflag:s23], $0x1  }
0xa3: {  	[sflag:s23] =	ssyncset.done $0x0  }
0xa4: {  	s25 =	simm.s32 $0x1B8E;
	s24 =	sld [smem:$0x3FFE];
	[sflag:s23] =	ssyncadd.s32 $0xFFFFFFFF  }
0xa5: {  	s26 =	simm.s32 $execute0_lowered;
	[smem:$0x3FD2] =	sst s25  }
0xa6: {  	s4 =	sshll.u32 s26, $0x1;
	_ =	strace $0x80000049;
	[dreg:$0x1] =	wrdreg $0xFFFFFFFF  }
0xa7: {  	s28 =	simm.s32 $_size_execute0_lowered;
	s2 =	sadd.s32 s2, s4;
	[dreg:$0x0] =	wrdreg $0x0  }
0xa8: {  	s4 =	sshll.u32 s28, $0x1;
	[dreg:$0x2] =	wrdreg s2  }
0xa9: {  	[dreg:$0x3] =	wrdreg s4  }
0xaa: {  	[dreg:$0x4] =	wrdreg $0xC0  }
0xab: {  	_ =	task [dreg:s6], $0x5FFFF  }
0xac: {  	[dreg:$0x1] =	wrdreg $0xFFFFFFFF  }
0xad: {  	[dreg:$0x0] =	wrdreg $0x60  }
0xae: {  	[dreg:$0x2] =	wrdreg s24  }
0xaf: {  	[dreg:$0x3] =	wrdreg $0x88000  }
0xb0: {  	[dreg:$0x4] =	wrdreg $0x9  }
0xb1: {  	_ =	task.clear_ibuf [dreg:s6], $0x5FFFF;
	_ =	strace $0x90000049  }
0xb2: {  	s29 =	simm.s32 $0x9;
	_ =	strace $0x8000004B  }
0xb3: {  	_ =	swait.ge [sflag:s29], $0x1  }
0xb4: {  	[sflag:s29] =	ssyncadd.s32 $0xFFFFFFFF  }
0xb5: {  	_ =	strace $0x9000004B  }
0xb6: {  	_ =	sfence  }
0xb7: {  	s30 =	sld [smem:$0x0];
	_ =	sdelay $0x2  }
0xb8: {  	s31 =	sshll.u32 s1, $0xD;
	s1 =	sshrl.u32 s1, $0x2  }
0xb9: {  	s3 =	sand.u32 $0x4000, s31;
	s1 =	sadd.s32 s1, s30  }
0xba: {  	s0 =	sor.u32 s3, s0;
	s1 =	sshll.u32 s1, $0x11  }
0xbb: {  	s0 =	sor.u32 s1, s0  }
0xbc: {  	s0 =	sadd.s32 $0x8F2B, s0  }
0xbd: {  	[sflag:s0] =	ssyncadd.remote.s32 $0x1  }
0xbe: {  	_ =	sfence.sel $0xFFFF  }
0xbf: {  	[dreg:$0x0] =	wrdreg $0xFFFFFFFF;
	(pc) =	sbr.abs _section_cstart, $3  }
0xc0: {  	[dreg:$0x1] =	wrdreg $0xFFFFFFFF  }
0xc1: {  	_ =	task.clear_ibuf [dreg:s6], $0x2FFFF;
	_ =	strace $0x9FFFFFFF  }
0xc2: {  	(tm) =	ssettm $0x7FFFFFFF  }
0xc3: {  	_ =	shalt  }
tec
execute0_lowered:
.L_overlay_start_1:
0x0: {  	(tag) =	ssettag $0x1  }
0x1: {  	s0 =	rddreg [dreg:$0x0]  }
0x2: {  	s1 =	rddreg [dreg:$0x1];
	s3 =	simm.s32 $0x0  }
0x3: {  	s2 =	srdreg.scid;
	s25 =	stileid.u32;
	s13 =	simm.s32 $0x9  }
0x4: {  	s14 =	simm.s32 $0x1C00;
	s15 =	simm.s32 $0x28;
	s16 =	simm.s32 $0x3800  }
0x5: {  	s17 =	simm.s32 $0x80;
	s18 =	simm.s32 $0x4C00;
	s19 =	simm.s32 $0x100  }
0x6: {  	s20 =	simm.s32 $0x6000;
	s21 =	simm.s32 $0x180;
	s22 =	simm.s32 $0x7400  }
0x7: {  	s23 =	simm.s32 $0x5;
	s24 =	simm.s32 $0x6;
	s28 =	simm.s32 $0x0  }
0x8: {  	[smem:$0x7FF] =	sst s3;
	s8 =	sand.u32 $0x1, s2;
	s10 =	smul.u32 $0x14000, s25  }
0x9: {  	s4 =	sadd.s32 $0x5C800, s0;
	s5 =	sadd.s32 $0x39800, s0;
	s6 =	sadd.s32 $0x16800, s0  }
0xa: {  	s7 =	sadd.s32 $0x2600, s0;
	s12 =	smul.u32 $0x50000, s25;
	s31 =	sshll.u32 s25, $0x6  }
0xb: {  	s9 =	smul.u32 $0x140000, s8;
	_ =	strace $0x8000004A;
	s26 =	ssub.s32 $0x2, s8  }
0xc: {  	[dreg:$0x3] =	wrdreg s7;
	s8 =	sshll.u32 s8, $0x4;
	s11 =	sshrl.u32 s26, $0x1  }
0xd: {  	s29 =	sor.u32 s25, s8;
	s30 =	sshrl.u32 s12, $0x2;
	s9 =	sadd.s32 s10, s9  }
0xe: {  	s8 =	sor.u32 $0x1C09, s31;
	s25 =	simm.s32 $0x7;
	s9 =	sshrl.u32 s9, $0x3  }
0xf: {  	s11 =	ssub.s32 s26, s11;
	s12 =	sadd.s32 s30, s1;
	s0 =	sadd.s32 s9, s0  }
0x10: {  	s26 =	simm.s32 $0x8;
	s11 =	smax.u32 s11, $0x1;
	s0 =	sadd.s32 $0x83A00, s0  }
0x11: {  	s12 =	sshrl.u32 s12, $0x3;
	s9 =	smul.u32 $0x8C00, s29;
	[dreg:$0x4] =	wrdreg s0  }
.LBB2_1:
0x12: {  	s0 =	rddreg [dreg:$0x3]  }
0x13: {  	[spmem:s12], [sflag:s8] =	dma.local [hbm:s0], $0x2800  }
0x14: {  	_ =	swait.ge [sflag:s13], $0x2800  }
0x15: {  	[sflag:s13] =	ssyncset.done $0x0  }
0x16: {  	[sflag:s13] =	ssyncadd.s32 $0xFFFFD800  }
0x17: {  	s29 =	simm.s32 $0x0;
	[bflag:$0x0] =	sbarrier.arrive $0xFFFF  }
.LBB2_2:
0x18: {  	s0 =	smul.u32 $0x1C00, s29;
	_ =	sdelay $0x1  }
0x19: {  	s0 =	sadd.s32 s9, s0  }
0x1a: {  	s0 =	sshrl.u32 s0, $0x3  }
0x1b: {  	s30 =	sadd.s32 s5, s0  }
0x1c: {  	[tilespmem:s3], [sflag:$0x9] =	stream.linear.gather [hbm4b:s30+s3], $0x1900, $0x38;
	[tilespmem:$0x1C800] =	vst v63  }
0x1d: {  	_ =	swait.ge [sflag:s13], $0x1900  }
0x1e: {  	[sflag:s13] =	ssyncset.done $0x0  }
0x1f: {  	s0 =	sadd.s32 s6, s0;
	[sflag:s13] =	ssyncadd.s32 $0xFFFFE700  }
0x20: {  	[tilespmem:s14], [sflag:$0x9] =	stream.linear.gather [hbm4b:s0+s3], $0x1900, $0x38;
	[tilespmem:$0x1C800] =	vst v63  }
0x21: {  	_ =	swait.ge [sflag:s13], $0x1900  }
0x22: {  	[sflag:s13] =	ssyncset.done $0x0  }
0x23: {  	[sflag:s13] =	ssyncadd.s32 $0xFFFFE700  }
0x24: {  	[tilespmem:s16], [sflag:$0x1] =	stream.indirect.gather [hbm4b:s4+s15], $0x80, s3, s15, $0xb8;
	[tilespmem:$0x1C800] =	vst v63  }
0x25: {  	_ = 	snop  }
0x26: {  	[tilespmem:s18], [sflag:$0x2] =	stream.indirect.gather [hbm4b:s4+s15], $0x80, s17, s15, $0xb8;
	[tilespmem:$0x1C800] =	vst v63  }
0x27: {  	s30 =	simm.s32 $0x1  }
0x28: {  	[tilespmem:s20], [sflag:$0x3] =	stream.indirect.gather [hbm4b:s4+s15], $0x80, s19, s15, $0xb8;
	[tilespmem:$0x1C800] =	vst v63  }
0x29: {  	_ =	swait.ge [sflag:s30], $0x1400  }
0x2a: {  	[sflag:s30] =	ssyncset.done $0x0  }
0x2b: {  	[sflag:s30] =	ssyncadd.s32 $0xFFFFEC00  }
0x2c: {  	[spmem:s1] =	stream.indirect.scatter.add.f32 [tilespmem:s16], [sflag:$0x5], $0x80, s14, s15, $0xb8;
	[tilespmem:$0x1C800] =	vst v63  }
0x2d: {  	s31 =	simm.s32 $0x200;
	s0 =	simm.s32 $0x1C80  }
0x2e: {  	[tilespmem:s22], [sflag:$0x4] =	stream.indirect.gather [hbm4b:s4+s15], $0x80, s21, s15, $0xb8;
	[tilespmem:$0x1C800] =	vst v63  }
.LBB2_3:
0x2f: {  	s2 =	sand.u32 $0x3, s30  }
0x30: {  	p0 =	sgt.s32 s2, $0x1  }
0x31: {  	p1 =	seq.s32 @p0 s2, $0x2  }
0x32: {  	p2 =	por !p1, !p0  }
0x33: {  	s7 =	simm.s32 @!p2 $0x3  }
0x34: {  	_ =	swait.ge @!p2 [sflag:s7], $0x1400  }
0x35: {  	p3 =	sgt.u32 @!p2 s30, $0x2E;
	[sflag:s7] =	ssyncset.done @!p2 $0x0  }
0x36: {  	s10 =	simm.s32 @!p2 $0x6000;
	[sflag:s7] =	ssyncadd.s32 @!p2 $0xFFFFEC00;
	s7 =	simm.s32 @!p2 $0x28  }
0x37: {  	[spmem:s1] =	stream.indirect.scatter.add.f32 @!p2 [tilespmem:s10], [sflag:$0x7], $0x80, s0, s7, $0xb8;
	[tilespmem:$0x1C800] =	vst v63  }
0x38: {  	p2 =	por @p0 p3, !p1  }
0x39: {  	p2 =	por p2, !p0  }
0x3a: {  	s7 =	simm.s32 @!p2 $0x6  }
0x3b: {  	_ =	swait.ge @!p2 [sflag:s7], $0x1400  }
0x3c: {  	[sflag:s7] =	ssyncset.done @!p2 $0x0  }
0x3d: {  	s10 =	simm.s32 @!p2 $0x4C00;
	[sflag:s7] =	ssyncadd.s32 @!p2 $0xFFFFEC00;
	s7 =	simm.s32 @!p2 $0x28  }
0x3e: {  	[tilespmem:s10], [sflag:$0x2] =	stream.indirect.gather @!p2 [hbm4b:s4+s7], $0x80, s31, s7, $0xb8;
	[tilespmem:$0x1C800] =	vst v63  }
0x3f: {  	p2 =	por p1, !p0  }
0x40: {  	s7 =	simm.s32 @!p2 $0x4  }
0x41: {  	p3 =	sgt.u32 @!p2 s30, $0x2E;
	_ =	swait.ge @!p2 [sflag:s7], $0x1400  }
0x42: {  	s10 =	simm.s32 @!p2 $0x7400;
	p1 =	por @p0 p3, p1;
	[sflag:s7] =	ssyncset.done @!p2 $0x0  }
0x43: {  	p1 =	por p1, !p0;
	[sflag:s7] =	ssyncadd.s32 @!p2 $0xFFFFEC00;
	s7 =	simm.s32 @!p2 $0x28  }
0x44: {  	[spmem:s1] =	stream.indirect.scatter.add.f32 @!p2 [tilespmem:s10], [sflag:$0x8], $0x80, s0, s7, $0xb8;
	[tilespmem:$0x1C800] =	vst v63  }
0x45: {  	s7 =	simm.s32 @!p1 $0x7  }
0x46: {  	_ =	swait.ge @!p1 [sflag:s7], $0x1400  }
0x47: {  	[sflag:s7] =	ssyncset.done @!p1 $0x0  }
0x48: {  	s10 =	simm.s32 @!p1 $0x6000;
	[sflag:s7] =	ssyncadd.s32 @!p1 $0xFFFFEC00;
	s7 =	simm.s32 @!p1 $0x28  }
0x49: {  	[tilespmem:s10], [sflag:$0x3] =	stream.indirect.gather @!p1 [hbm4b:s4+s7], $0x80, s31, s7, $0xb8;
	[tilespmem:$0x1C800] =	vst v63  }
0x4a: {  	p1 =	seq.s32 @!p0 s2, $0x0  }
0x4b: {  	p2 =	por !p1, p0  }
0x4c: {  	s2 =	simm.s32 @!p2 $0x1  }
0x4d: {  	_ =	swait.ge @!p2 [sflag:s2], $0x1400  }
0x4e: {  	p3 =	sgt.u32 @!p2 s30, $0x2E;
	[sflag:s2] =	ssyncset.done @!p2 $0x0  }
0x4f: {  	s7 =	simm.s32 @!p2 $0x3800;
	[sflag:s2] =	ssyncadd.s32 @!p2 $0xFFFFEC00;
	s2 =	simm.s32 @!p2 $0x28  }
0x50: {  	[spmem:s1] =	stream.indirect.scatter.add.f32 @!p2 [tilespmem:s7], [sflag:$0x5], $0x80, s0, s2, $0xb8;
	[tilespmem:$0x1C800] =	vst v63  }
0x51: {  	p2 =	por @!p0 p3, !p1  }
0x52: {  	p2 =	por p2, p0  }
0x53: {  	s2 =	simm.s32 @!p2 $0x8  }
0x54: {  	_ =	swait.ge @!p2 [sflag:s2], $0x1400  }
0x55: {  	[sflag:s2] =	ssyncset.done @!p2 $0x0  }
0x56: {  	s7 =	simm.s32 @!p2 $0x7400;
	[sflag:s2] =	ssyncadd.s32 @!p2 $0xFFFFEC00;
	s2 =	simm.s32 @!p2 $0x28  }
0x57: {  	[tilespmem:s7], [sflag:$0x4] =	stream.indirect.gather @!p2 [hbm4b:s4+s2], $0x80, s31, s2, $0xb8;
	[tilespmem:$0x1C800] =	vst v63  }
0x58: {  	p2 =	por p1, p0  }
0x59: {  	s2 =	simm.s32 @!p2 $0x2  }
0x5a: {  	p3 =	sgt.u32 @!p2 s30, $0x2E;
	_ =	swait.ge @!p2 [sflag:s2], $0x1400  }
0x5b: {  	s7 =	simm.s32 @!p2 $0x4C00;
	p1 =	por @!p0 p3, p1;
	[sflag:s2] =	ssyncset.done @!p2 $0x0  }
0x5c: {  	p0 =	por p1, p0;
	[sflag:s2] =	ssyncadd.s32 @!p2 $0xFFFFEC00;
	s2 =	simm.s32 @!p2 $0x28  }
0x5d: {  	[spmem:s1] =	stream.indirect.scatter.add.f32 @!p2 [tilespmem:s7], [sflag:$0x6], $0x80, s0, s2, $0xb8;
	[tilespmem:$0x1C800] =	vst v63  }
0x5e: {  	s2 =	simm.s32 @!p0 $0x5  }
0x5f: {  	_ =	swait.ge @!p0 [sflag:s2], $0x1400  }
0x60: {  	s30 =	sadd.s32 $0x1, s30;
	[sflag:s2] =	ssyncset.done @!p0 $0x0  }
0x61: {  	s7 =	simm.s32 @!p0 $0x3800;
	[sflag:s2] =	ssyncadd.s32 @!p0 $0xFFFFEC00;
	s2 =	simm.s32 @!p0 $0x28  }
0x62: {  	[tilespmem:s7], [sflag:$0x1] =	stream.indirect.gather @!p0 [hbm4b:s4+s2], $0x80, s31, s2, $0xb8;
	[tilespmem:$0x1C800] =	vst v63  }
0x63: {  	p0 =	sne.s32 s30, $0x32  }
.Ltmp0:
0x64: {  	_ = 	snop;
	(pc) =	sbr.rel @p0 .LBB2_3-.Ltmp0, $2  }
0x65: {  	_ =	sdelay $0x2  }
0x66: {  	s0 =	sadd.s32 $0x80, s0;
	s31 =	sadd.s32 $0x80, s31  }
0x67: {  	_ =	swait.ge [sflag:s23], $0x1400  }
0x68: {  	[sflag:s23] =	ssyncset.done $0x0  }
0x69: {  	[sflag:s23] =	ssyncadd.s32 $0xFFFFEC00  }
0x6a: {  	_ =	swait.ge [sflag:s24], $0x1400  }
0x6b: {  	[sflag:s24] =	ssyncset.done $0x0  }
0x6c: {  	s29 =	sadd.s32 $0x1, s29;
	[sflag:s24] =	ssyncadd.s32 $0xFFFFEC00  }
0x6d: {  	p0 =	sne.s32 s29, $0x5;
	_ =	swait.ge [sflag:s25], $0x1400  }
.Ltmp1:
0x6e: {  	[sflag:s25] =	ssyncset.done $0x0;
	(pc) =	sbr.rel @p0 .LBB2_2-.Ltmp1, $4  }
0x6f: {  	[sflag:s25] =	ssyncadd.s32 $0xFFFFEC00  }
0x70: {  	_ =	swait.ge [sflag:s26], $0x1400  }
0x71: {  	[sflag:s26] =	ssyncset.done $0x0  }
0x72: {  	[sflag:s26] =	ssyncadd.s32 $0xFFFFEC00  }
0x73: {  	s28 =	sadd.s32 $0x1, s28  }
0x74: {  	[bflag:$0x0] =	sbarrier.arrive $0xFFFF;
	p0 =	sne.s32 s28, s11  }
.Ltmp2:
0x75: {  	s0 =	rddreg [dreg:$0x4];
	(pc) =	sbr.rel @p0 .LBB2_1-.Ltmp2, $4  }
0x76: {  	[hbm:s0], [sflag:s8] =	dma.local [spmem:s12], $0x2800  }
0x77: {  	_ =	swait.ge [sflag:s13], $0x2800  }
0x78: {  	[sflag:s13] =	ssyncset.done $0x0  }
0x79: {  	[sflag:s13] =	ssyncadd.s32 $0xFFFFD800  }
0x7a: {  	_ =	sfence.sel $0x180000  }
0x7b: {  	[bflag:$0x0] =	sbarrier.arrive $0xFFFF  }
0x7c: {  	_ =	strace $0x9000004A  }
0x7d: {  	s0 =	stileid.u32;
	[bflag:$0x2] =	sbarrier.arrive $0xFFFF  }
0x7e: {  	p0 =	sne.s32 s0, $0x0;
	s0 =	rddreg [dreg:$0x2]  }
0x7f: {  	s0 =	sadd.s32 @!p0 $0x100000, s0  }
0x80: {  	[sflag:s0] =	ssyncadd.tile.s32 @!p0 $0x1;
	_ =	shalt  }
.Lfunc_end2:
_tile_overlayer_lowered:
.L_overlay_start_2:
0x81: {  	(tag) =	ssettag $0x2  }
0x82: {  	s0 =	rddreg [dreg:$0x0];
	s2 =	stileid.u32  }
0x83: {  	s1 =	rddreg [dreg:$0x1];
	p0 =	sne.s32 s2, $0x0  }
0x84: {  	s3 =	rddreg [dreg:$0x2];
	[bflag:$0x3] =	sbarrier.arrive $0xFFFF;
	s2 =	simm.s32 @!p0 $0x1C09  }
0x85: {  	[timem:s3], [sflag:s2] =	dma.local @!p0 [hbm:s0], s1  }
0x86: {  	s0 =	simm.s32 @!p0 $0x9  }
0x87: {  	_ =	swait.ge @!p0 [sflag:s0], s1  }
0x88: {  	s1 =	ssub.s32 @!p0 $0x0, s1;
	[sflag:s0] =	ssyncset.done @!p0 $0x0  }
0x89: {  	[sflag:s0] =	ssyncadd.s32 @!p0 s1  }
0x8a: {  	[bflag:$0x3] =	sbarrier.arrive $0xFFFF  }
0x8b: {  	_ =	shalt  }

// kernel: kernel.15.cloned.1.call-start
scs
__scs_entry_jumppad:
0x0: {  	(pc) =	sbr.rel $0x88, $3  }
0x1: {  	(tag) =	ssettag $0x0;
	lr =	simm.s32 $0x1  }
0x2: {  	[smem:$0x3F98] =	sst lr;
	_ =	strace $0xD0000000  }
0x3: {  	_ = 	snop  }
0x4: {  	_ = 	snop  }
0x5: {  	_ = 	snop  }
0x6: {  	_ = 	snop  }
0x7: {  	_ = 	snop  }
__scs_overlays_trampoline_lowered:
0x8: {  	[smem:$0x3FA7] =	sst s0  }
0x9: {  	[smem:$0x3FA8] =	sst s1  }
0xa: {  	[smem:$0x3FA9] =	sst s2  }
0xb: {  	[smem:$0x3FAA] =	sst s3  }
0xc: {  	[smem:$0x3FAB] =	sst s4  }
0xd: {  	[smem:$0x3FAC] =	sst s5  }
0xe: {  	[smem:$0x3FAD] =	sst s6  }
0xf: {  	[smem:$0x3FAE] =	sst s7  }
0x10: {  	[smem:$0x3FAF] =	sst s8  }
0x11: {  	[smem:$0x3FB0] =	sst s9;
	s0 =	simm.s32 @!p0 $0x0  }
0x12: {  	s1 =	sld [smem:$0x3F96];
	s0 =	simm.s32 @p0 $0x1  }
0x13: {  	[smem:$0x3FB1] =	sst s0;
	s0 =	simm.s32 @!p1 $0x0  }
0x14: {  	s2 =	sld [smem:$0x3F95];
	s0 =	simm.s32 @p1 $0x1  }
0x15: {  	[smem:$0x3FB2] =	sst s0;
	s0 =	simm.s32 @!p2 $0x0  }
0x16: {  	s3 =	sld [smem:$0x3FDB];
	s0 =	simm.s32 @p2 $0x1  }
0x17: {  	s4 =	simm.s32 $0x1BF5;
	[smem:$0x3FB4] =	sst s0  }
0x18: {  	s0 =	sld [smem:$0x3F97];
	_ =	swait.ge [sflag:s4], $0x0  }
0x19: {  	s7 =	sld [smem:$0x3F98]  }
0x1a: {  	s8 =	sadd.s32 $0xFFFFE003, lr  }
0x1b: {  	s9 =	sadd.s32 $0xFFFFFEF7, lr;
	s5 =	simm.s32 $0xFFFFFFFF;
	p2 =	slt.u32 s8, $0xFFFFF086  }
0x1c: {  	p1 =	slt.u32 s9, $0xF7A;
	s5 =	simm.s32 @!p2 $0x0  }
0x1d: {  	s5 =	simm.s32 @p1 $0x1;
	p0 =	seq.s32 s7, s2  }
0x1e: {  	s7 =	smul.u32 @!p0 $0xF7A, s2;
	p2 =	seq.s32 @!p0 s5, $0x0  }
0x1f: {  	s9 =	smul.u32 $0xF7A, s1;
	s8 =	simm.s32 @!p0 $0x1BF5;
	p2 =	por !p2, p0  }
0x20: {  	[sflag:s8] =	ssyncset.s32 @!p0 $0xFFFFF086;
	s6 =	sadd.s32 @!p0 s3, s7;
	s7 =	simm.s32 @!p0 $0x108  }
0x21: {  	s3 =	sadd.s32 s3, s9;
	s6 =	sadd.s32 @!p0 $0x88, s6;
	s7 =	simm.s32 @p2 $0x1082  }
0x22: {  	[simem:s7], [sflag:s8] =	dma.local @!p0 [hbm:s6], $0xF7A  }
0x23: {  	s9 =	sor.u32 $0xD0000000, s2;
	s6 =	simm.s32 $0x108;
	_ =	swait.ge @!p0 [sflag:s8], $0x0  }
0x24: {  	s3 =	sadd.s32 $0x88, s3;
	s6 =	simm.s32 @!p1 $0x1082;
	[sflag:s4] =	ssyncset.s32 $0xFFFFF086  }
0x25: {  	[simem:s6], [sflag:s4] =	dma.local [hbm:s3], $0xF7A  }
0x26: {  	[smem:$0x3F98] =	sst s1;
	(tag) =	ssettag s2;
	_ =	strace s9  }
0x27: {  	s1 =	sld [smem:$0x3FA8]  }
0x28: {  	s2 =	sld [smem:$0x3FA9]  }
0x29: {  	s4 =	sld [smem:$0x3FAB]  }
0x2a: {  	p0 =	seq.s32 s5, $0x0;
	s5 =	sld [smem:$0x3FAC]  }
0x2b: {  	s6 =	sld [smem:$0x3FAD]  }
0x2c: {  	s7 =	sld [smem:$0x3FAE]  }
0x2d: {  	s3 =	simm.s32 $0x108;
	s8 =	sld [smem:$0x3FAF]  }
0x2e: {  	s3 =	simm.s32 @!p0 $0x1082;
	s9 =	sld [smem:$0x3FB0]  }
0x2f: {  	lr =	sadd.s32 s0, s3;
	s0 =	sld [smem:$0x3FA7]  }
0x30: {  	s3 =	sld [smem:$0x3FAA]  }
0x31: {  	[smem:$0x3FB3] =	sst s10  }
0x32: {  	s10 =	sld [smem:$0x3FB1];
	_ =	sdelay $0x3  }
0x33: {  	p0 =	seq.s32 s10, $0x1;
	s10 =	sld [smem:$0x3FB3];
	_ =	sdelay $0x3  }
0x34: {  	[smem:$0x3FB3] =	sst s10  }
0x35: {  	s10 =	sld [smem:$0x3FB2];
	_ =	sdelay $0x3  }
0x36: {  	p1 =	seq.s32 s10, $0x1;
	s10 =	sld [smem:$0x3FB3];
	_ =	sdelay $0x3  }
0x37: {  	[smem:$0x3FB3] =	sst s10  }
0x38: {  	s10 =	sld [smem:$0x3FB4]  }
0x39: {  	_ = 	snop;
	(pc) =	sbr.ind lr, $3  }
0x3a: {  	_ = 	snop  }
0x3b: {  	_ = 	snop  }
0x3c: {  	p2 =	seq.s32 s10, $0x1;
	s10 =	sld [smem:$0x3FB3]  }
0x3d: {  	_ =	shalt  }
0x3e: {  	_ =	shalt  }
0x3f: {  	_ =	shalt  }
0x40: {  	_ =	shalt  }
0x41: {  	_ =	shalt  }
0x42: {  	_ =	shalt  }
0x43: {  	_ =	shalt  }
0x44: {  	_ =	shalt  }
0x45: {  	_ =	shalt  }
0x46: {  	_ =	shalt  }
0x47: {  	_ =	shalt  }
0x48: {  	_ =	shalt  }
0x49: {  	_ =	shalt  }
0x4a: {  	_ =	shalt  }
0x4b: {  	_ =	shalt  }
0x4c: {  	_ =	shalt  }
0x4d: {  	_ =	shalt  }
0x4e: {  	_ =	shalt  }
0x4f: {  	_ =	shalt  }
0x50: {  	_ =	shalt  }
0x51: {  	_ =	shalt  }
0x52: {  	_ =	shalt  }
0x53: {  	_ =	shalt  }
0x54: {  	_ =	shalt  }
0x55: {  	_ =	shalt  }
0x56: {  	_ =	shalt  }
0x57: {  	_ =	shalt  }
0x58: {  	_ =	shalt  }
0x59: {  	_ =	shalt  }
0x5a: {  	_ =	shalt  }
0x5b: {  	_ =	shalt  }
0x5c: {  	_ =	shalt  }
0x5d: {  	_ =	shalt  }
0x5e: {  	_ =	shalt  }
0x5f: {  	_ =	shalt  }
0x60: {  	_ =	shalt  }
0x61: {  	_ =	shalt  }
0x62: {  	_ =	shalt  }
0x63: {  	_ =	shalt  }
0x64: {  	_ =	shalt  }
0x65: {  	_ =	shalt  }
0x66: {  	_ =	shalt  }
0x67: {  	_ =	shalt  }
0x68: {  	_ =	shalt  }
0x69: {  	_ =	shalt  }
0x6a: {  	_ =	shalt  }
0x6b: {  	_ =	shalt  }
0x6c: {  	_ =	shalt  }
0x6d: {  	_ =	shalt  }
0x6e: {  	_ =	shalt  }
0x6f: {  	_ =	shalt  }
0x70: {  	_ =	shalt  }
0x71: {  	_ =	shalt  }
0x72: {  	_ =	shalt  }
0x73: {  	_ =	shalt  }
0x74: {  	_ =	shalt  }
0x75: {  	_ =	shalt  }
0x76: {  	_ =	shalt  }
0x77: {  	_ =	shalt  }
0x78: {  	_ =	shalt  }
0x79: {  	_ =	shalt  }
0x7a: {  	_ =	shalt  }
0x7b: {  	_ =	shalt  }
0x7c: {  	_ =	shalt  }
0x7d: {  	_ =	shalt  }
0x7e: {  	_ =	shalt  }
0x7f: {  	_ =	shalt  }
0x80: {  	_ =	shalt  }
0x81: {  	_ =	shalt  }
0x82: {  	_ =	shalt  }
0x83: {  	_ =	shalt  }
0x84: {  	_ =	shalt  }
0x85: {  	_ =	shalt  }
0x86: {  	_ =	shalt  }
0x87: {  	_ =	shalt  }
.Lfunc_end0:
.L_simem_size_0:
called_computation.2_lowered:
.L_overlay_start_0:
0x88: {  	s2 =	sld [smem:$0x3FD9]  }
0x89: {  	s3 =	sld [smem:$0x3FFE];
	_ =	sdelay $0x1  }
0x8a: {  	s1 =	srdreg.scid  }
0x8b: {  	s0 =	sand.u32 $0x1, s1  }
0x8c: {  	s16 =	sshll.u32 s0, $0xA;
	s2 =	sadd.s32 s3, s2  }
0x8d: {  	s2 =	sadd.s32 s2, s16  }
0x8e: {  	[smem:$0x3FBF] =	sst s2  }
0x8f: {  	_ = 	snop  }
0x90: {  	(tm) =	ssettm $0x1  }
0x91: {  	s17 =	sld [smem:$0x3FFB];
	_ =	sdelay $0x3  }
0x92: {  	_ =	strace s17  }
0x93: {  	s2 =	sld [smem:$0x3FFC];
	_ =	sdelay $0x3  }
0x94: {  	_ =	strace s2  }
0x95: {  	s2 =	sld [smem:$0x3FFD];
	_ =	sdelay $0x3  }
0x96: {  	_ =	strace s2  }
0x97: {  	_ =	strace $0x8FFFFFFF  }
0x98: {  	s18 =	sld [smem:$0x3FDB];
	_ =	sdelay $0x1  }
0x99: {  	s19 =	simm.s32 $_scs_section_size  }
0x9a: {  	s4 =	simm.s32 $_size__tile_overlayer_lowered;
	s5 =	simm.s32 $_tile_overlayer_lowered  }
0x9b: {  	s22 =	simm.s32 $0x1BFF;
	s21 =	sshll.u32 s5, $0x1;
	s2 =	sadd.s32 s19, s18  }
0x9c: {  	s6 =	simm.s32 $0x0;
	s20 =	sshll.u32 s4, $0x1;
	s4 =	sadd.s32 s21, s2  }
0x9d: {  	[timem:s6], [sflag:s22] =	dma.local [hbm:s4], s20  }
0x9e: {  	_ =	swait.ge [sflag:s22], s20  }
0x9f: {  	s3 =	ssub.s32 $0x0, s20;
	[sflag:s22] =	ssyncset.done $0x0  }
0xa0: {  	[sflag:s22] =	ssyncadd.s32 s3;
	_ =	sdelay $0x1  }
0xa1: {  	s23 =	simm.s32 $0x1B8B  }
0xa2: {  	_ =	swait.ge [sflag:s23], $0x1  }
0xa3: {  	[sflag:s23] =	ssyncset.done $0x0  }
0xa4: {  	s25 =	simm.s32 $0x1B8E;
	s24 =	sld [smem:$0x3FFE];
	[sflag:s23] =	ssyncadd.s32 $0xFFFFFFFF  }
0xa5: {  	s26 =	simm.s32 $execute0_lowered;
	[smem:$0x3FD2] =	sst s25  }
0xa6: {  	s4 =	sshll.u32 s26, $0x1;
	_ =	strace $0x8000004C;
	[dreg:$0x1] =	wrdreg $0xFFFFFFFF  }
0xa7: {  	s28 =	simm.s32 $_size_execute0_lowered;
	s2 =	sadd.s32 s2, s4;
	[dreg:$0x0] =	wrdreg $0x0  }
0xa8: {  	s4 =	sshll.u32 s28, $0x1;
	[dreg:$0x2] =	wrdreg s2  }
0xa9: {  	[dreg:$0x3] =	wrdreg s4  }
0xaa: {  	[dreg:$0x4] =	wrdreg $0xC0  }
0xab: {  	_ =	task [dreg:s6], $0x5FFFF  }
0xac: {  	[dreg:$0x1] =	wrdreg $0xFFFFFFFF  }
0xad: {  	[dreg:$0x0] =	wrdreg $0x60  }
0xae: {  	[dreg:$0x2] =	wrdreg s24  }
0xaf: {  	[dreg:$0x3] =	wrdreg $0x88000  }
0xb0: {  	[dreg:$0x4] =	wrdreg $0x9  }
0xb1: {  	_ =	task.clear_ibuf [dreg:s6], $0x5FFFF;
	_ =	strace $0x9000004C  }
0xb2: {  	s29 =	simm.s32 $0x9;
	_ =	strace $0x8000004E  }
0xb3: {  	_ =	swait.ge [sflag:s29], $0x1  }
0xb4: {  	[sflag:s29] =	ssyncadd.s32 $0xFFFFFFFF  }
0xb5: {  	_ =	strace $0x9000004E  }
0xb6: {  	_ =	sfence  }
0xb7: {  	s30 =	sld [smem:$0x0];
	_ =	sdelay $0x2  }
0xb8: {  	s31 =	sshll.u32 s1, $0xD;
	s1 =	sshrl.u32 s1, $0x2  }
0xb9: {  	s3 =	sand.u32 $0x4000, s31;
	s1 =	sadd.s32 s1, s30  }
0xba: {  	s0 =	sor.u32 s3, s0;
	s1 =	sshll.u32 s1, $0x11  }
0xbb: {  	s0 =	sor.u32 s1, s0  }
0xbc: {  	s0 =	sadd.s32 $0x8F2B, s0  }
0xbd: {  	[sflag:s0] =	ssyncadd.remote.s32 $0x1  }
0xbe: {  	_ =	sfence.sel $0xFFFF  }
0xbf: {  	[dreg:$0x0] =	wrdreg $0xFFFFFFFF;
	(pc) =	sbr.abs _section_cstart, $3  }
0xc0: {  	[dreg:$0x1] =	wrdreg $0xFFFFFFFF  }
0xc1: {  	_ =	task.clear_ibuf [dreg:s6], $0x2FFFF;
	_ =	strace $0x9FFFFFFF  }
0xc2: {  	(tm) =	ssettm $0x7FFFFFFF  }
0xc3: {  	_ =	shalt  }
tec
execute0_lowered:
.L_overlay_start_1:
0x0: {  	(tag) =	ssettag $0x1  }
0x1: {  	s0 =	rddreg [dreg:$0x0]  }
0x2: {  	s1 =	rddreg [dreg:$0x1];
	s3 =	simm.s32 $0x0  }
0x3: {  	s2 =	srdreg.scid;
	s25 =	stileid.u32;
	s13 =	simm.s32 $0x9  }
0x4: {  	s14 =	simm.s32 $0x1C00;
	s15 =	simm.s32 $0x28;
	s16 =	simm.s32 $0x3800  }
0x5: {  	s17 =	simm.s32 $0x80;
	s18 =	simm.s32 $0x4C00;
	s19 =	simm.s32 $0x100  }
0x6: {  	s20 =	simm.s32 $0x6000;
	s21 =	simm.s32 $0x180;
	s22 =	simm.s32 $0x7400  }
0x7: {  	s23 =	simm.s32 $0x5;
	s24 =	simm.s32 $0x6;
	s28 =	simm.s32 $0x0  }
0x8: {  	[smem:$0x7FF] =	sst s3;
	s8 =	sand.u32 $0x1, s2;
	s10 =	smul.u32 $0x14000, s25  }
0x9: {  	s4 =	sadd.s32 $0x5C800, s0;
	s5 =	sadd.s32 $0x39800, s0;
	s6 =	sadd.s32 $0x16800, s0  }
0xa: {  	s7 =	sadd.s32 $0x2600, s0;
	s12 =	smul.u32 $0x50000, s25;
	s31 =	sshll.u32 s25, $0x6  }
0xb: {  	s9 =	smul.u32 $0x140000, s8;
	_ =	strace $0x8000004D;
	s26 =	ssub.s32 $0x2, s8  }
0xc: {  	[dreg:$0x3] =	wrdreg s7;
	s8 =	sshll.u32 s8, $0x4;
	s11 =	sshrl.u32 s26, $0x1  }
0xd: {  	s29 =	sor.u32 s25, s8;
	s30 =	sshrl.u32 s12, $0x2;
	s9 =	sadd.s32 s10, s9  }
0xe: {  	s8 =	sor.u32 $0x1C09, s31;
	s25 =	simm.s32 $0x7;
	s9 =	sshrl.u32 s9, $0x3  }
0xf: {  	s11 =	ssub.s32 s26, s11;
	s12 =	sadd.s32 s30, s1;
	s0 =	sadd.s32 s9, s0  }
0x10: {  	s26 =	simm.s32 $0x8;
	s11 =	smax.u32 s11, $0x1;
	s0 =	sadd.s32 $0x83A00, s0  }
0x11: {  	s12 =	sshrl.u32 s12, $0x3;
	s9 =	smul.u32 $0x8C00, s29;
	[dreg:$0x4] =	wrdreg s0  }
.LBB2_1:
0x12: {  	s0 =	rddreg [dreg:$0x3]  }
0x13: {  	[spmem:s12], [sflag:s8] =	dma.local [hbm:s0], $0x2800  }
0x14: {  	_ =	swait.ge [sflag:s13], $0x2800  }
0x15: {  	[sflag:s13] =	ssyncset.done $0x0  }
0x16: {  	[sflag:s13] =	ssyncadd.s32 $0xFFFFD800  }
0x17: {  	s29 =	simm.s32 $0x0;
	[bflag:$0x0] =	sbarrier.arrive $0xFFFF  }
.LBB2_2:
0x18: {  	s0 =	smul.u32 $0x1C00, s29;
	_ =	sdelay $0x1  }
0x19: {  	s0 =	sadd.s32 s9, s0  }
0x1a: {  	s0 =	sshrl.u32 s0, $0x3  }
0x1b: {  	s30 =	sadd.s32 s5, s0  }
0x1c: {  	[tilespmem:s3], [sflag:$0x9] =	stream.linear.gather [hbm4b:s30+s3], $0x1900, $0x38;
	[tilespmem:$0x1C800] =	vst v63  }
0x1d: {  	_ =	swait.ge [sflag:s13], $0x1900  }
0x1e: {  	[sflag:s13] =	ssyncset.done $0x0  }
0x1f: {  	s0 =	sadd.s32 s6, s0;
	[sflag:s13] =	ssyncadd.s32 $0xFFFFE700  }
0x20: {  	[tilespmem:s14], [sflag:$0x9] =	stream.linear.gather [hbm4b:s0+s3], $0x1900, $0x38;
	[tilespmem:$0x1C800] =	vst v63  }
0x21: {  	_ =	swait.ge [sflag:s13], $0x1900  }
0x22: {  	[sflag:s13] =	ssyncset.done $0x0  }
0x23: {  	[sflag:s13] =	ssyncadd.s32 $0xFFFFE700  }
0x24: {  	[tilespmem:s16], [sflag:$0x1] =	stream.indirect.gather [hbm4b:s4+s15], $0x80, s3, s15, $0xb8;
	[tilespmem:$0x1C800] =	vst v63  }
0x25: {  	_ = 	snop  }
0x26: {  	[tilespmem:s18], [sflag:$0x2] =	stream.indirect.gather [hbm4b:s4+s15], $0x80, s17, s15, $0xb8;
	[tilespmem:$0x1C800] =	vst v63  }
0x27: {  	s30 =	simm.s32 $0x1  }
0x28: {  	[tilespmem:s20], [sflag:$0x3] =	stream.indirect.gather [hbm4b:s4+s15], $0x80, s19, s15, $0xb8;
	[tilespmem:$0x1C800] =	vst v63  }
0x29: {  	_ =	swait.ge [sflag:s30], $0x1400  }
0x2a: {  	[sflag:s30] =	ssyncset.done $0x0  }
0x2b: {  	[sflag:s30] =	ssyncadd.s32 $0xFFFFEC00  }
0x2c: {  	[spmem:s1] =	stream.indirect.scatter.add.f32 [tilespmem:s16], [sflag:$0x5], $0x80, s14, s15, $0xb8;
	[tilespmem:$0x1C800] =	vst v63  }
0x2d: {  	s31 =	simm.s32 $0x200;
	s0 =	simm.s32 $0x1C80  }
0x2e: {  	[tilespmem:s22], [sflag:$0x4] =	stream.indirect.gather [hbm4b:s4+s15], $0x80, s21, s15, $0xb8;
	[tilespmem:$0x1C800] =	vst v63  }
.LBB2_3:
0x2f: {  	s2 =	sand.u32 $0x3, s30  }
0x30: {  	p0 =	sgt.s32 s2, $0x1  }
0x31: {  	p1 =	seq.s32 @p0 s2, $0x2  }
0x32: {  	p2 =	por !p1, !p0  }
0x33: {  	s7 =	simm.s32 @!p2 $0x3  }
0x34: {  	_ =	swait.ge @!p2 [sflag:s7], $0x1400  }
0x35: {  	p3 =	sgt.u32 @!p2 s30, $0x2E;
	[sflag:s7] =	ssyncset.done @!p2 $0x0  }
0x36: {  	s10 =	simm.s32 @!p2 $0x6000;
	[sflag:s7] =	ssyncadd.s32 @!p2 $0xFFFFEC00;
	s7 =	simm.s32 @!p2 $0x28  }
0x37: {  	[spmem:s1] =	stream.indirect.scatter.add.f32 @!p2 [tilespmem:s10], [sflag:$0x7], $0x80, s0, s7, $0xb8;
	[tilespmem:$0x1C800] =	vst v63  }
0x38: {  	p2 =	por @p0 p3, !p1  }
0x39: {  	p2 =	por p2, !p0  }
0x3a: {  	s7 =	simm.s32 @!p2 $0x6  }
0x3b: {  	_ =	swait.ge @!p2 [sflag:s7], $0x1400  }
0x3c: {  	[sflag:s7] =	ssyncset.done @!p2 $0x0  }
0x3d: {  	s10 =	simm.s32 @!p2 $0x4C00;
	[sflag:s7] =	ssyncadd.s32 @!p2 $0xFFFFEC00;
	s7 =	simm.s32 @!p2 $0x28  }
0x3e: {  	[tilespmem:s10], [sflag:$0x2] =	stream.indirect.gather @!p2 [hbm4b:s4+s7], $0x80, s31, s7, $0xb8;
	[tilespmem:$0x1C800] =	vst v63  }
0x3f: {  	p2 =	por p1, !p0  }
0x40: {  	s7 =	simm.s32 @!p2 $0x4  }
0x41: {  	p3 =	sgt.u32 @!p2 s30, $0x2E;
	_ =	swait.ge @!p2 [sflag:s7], $0x1400  }
0x42: {  	s10 =	simm.s32 @!p2 $0x7400;
	p1 =	por @p0 p3, p1;
	[sflag:s7] =	ssyncset.done @!p2 $0x0  }
0x43: {  	p1 =	por p1, !p0;
	[sflag:s7] =	ssyncadd.s32 @!p2 $0xFFFFEC00;
	s7 =	simm.s32 @!p2 $0x28  }
0x44: {  	[spmem:s1] =	stream.indirect.scatter.add.f32 @!p2 [tilespmem:s10], [sflag:$0x8], $0x80, s0, s7, $0xb8;
	[tilespmem:$0x1C800] =	vst v63  }
0x45: {  	s7 =	simm.s32 @!p1 $0x7  }
0x46: {  	_ =	swait.ge @!p1 [sflag:s7], $0x1400  }
0x47: {  	[sflag:s7] =	ssyncset.done @!p1 $0x0  }
0x48: {  	s10 =	simm.s32 @!p1 $0x6000;
	[sflag:s7] =	ssyncadd.s32 @!p1 $0xFFFFEC00;
	s7 =	simm.s32 @!p1 $0x28  }
0x49: {  	[tilespmem:s10], [sflag:$0x3] =	stream.indirect.gather @!p1 [hbm4b:s4+s7], $0x80, s31, s7, $0xb8;
	[tilespmem:$0x1C800] =	vst v63  }
0x4a: {  	p1 =	seq.s32 @!p0 s2, $0x0  }
0x4b: {  	p2 =	por !p1, p0  }
0x4c: {  	s2 =	simm.s32 @!p2 $0x1  }
0x4d: {  	_ =	swait.ge @!p2 [sflag:s2], $0x1400  }
0x4e: {  	p3 =	sgt.u32 @!p2 s30, $0x2E;
	[sflag:s2] =	ssyncset.done @!p2 $0x0  }
0x4f: {  	s7 =	simm.s32 @!p2 $0x3800;
	[sflag:s2] =	ssyncadd.s32 @!p2 $0xFFFFEC00;
	s2 =	simm.s32 @!p2 $0x28  }
0x50: {  	[spmem:s1] =	stream.indirect.scatter.add.f32 @!p2 [tilespmem:s7], [sflag:$0x5], $0x80, s0, s2, $0xb8;
	[tilespmem:$0x1C800] =	vst v63  }
0x51: {  	p2 =	por @!p0 p3, !p1  }
0x52: {  	p2 =	por p2, p0  }
0x53: {  	s2 =	simm.s32 @!p2 $0x8  }
0x54: {  	_ =	swait.ge @!p2 [sflag:s2], $0x1400  }
0x55: {  	[sflag:s2] =	ssyncset.done @!p2 $0x0  }
0x56: {  	s7 =	simm.s32 @!p2 $0x7400;
	[sflag:s2] =	ssyncadd.s32 @!p2 $0xFFFFEC00;
	s2 =	simm.s32 @!p2 $0x28  }
0x57: {  	[tilespmem:s7], [sflag:$0x4] =	stream.indirect.gather @!p2 [hbm4b:s4+s2], $0x80, s31, s2, $0xb8;
	[tilespmem:$0x1C800] =	vst v63  }
0x58: {  	p2 =	por p1, p0  }
0x59: {  	s2 =	simm.s32 @!p2 $0x2  }
0x5a: {  	p3 =	sgt.u32 @!p2 s30, $0x2E;
	_ =	swait.ge @!p2 [sflag:s2], $0x1400  }
0x5b: {  	s7 =	simm.s32 @!p2 $0x4C00;
	p1 =	por @!p0 p3, p1;
	[sflag:s2] =	ssyncset.done @!p2 $0x0  }
0x5c: {  	p0 =	por p1, p0;
	[sflag:s2] =	ssyncadd.s32 @!p2 $0xFFFFEC00;
	s2 =	simm.s32 @!p2 $0x28  }
0x5d: {  	[spmem:s1] =	stream.indirect.scatter.add.f32 @!p2 [tilespmem:s7], [sflag:$0x6], $0x80, s0, s2, $0xb8;
	[tilespmem:$0x1C800] =	vst v63  }
0x5e: {  	s2 =	simm.s32 @!p0 $0x5  }
0x5f: {  	_ =	swait.ge @!p0 [sflag:s2], $0x1400  }
0x60: {  	s30 =	sadd.s32 $0x1, s30;
	[sflag:s2] =	ssyncset.done @!p0 $0x0  }
0x61: {  	s7 =	simm.s32 @!p0 $0x3800;
	[sflag:s2] =	ssyncadd.s32 @!p0 $0xFFFFEC00;
	s2 =	simm.s32 @!p0 $0x28  }
0x62: {  	[tilespmem:s7], [sflag:$0x1] =	stream.indirect.gather @!p0 [hbm4b:s4+s2], $0x80, s31, s2, $0xb8;
	[tilespmem:$0x1C800] =	vst v63  }
0x63: {  	p0 =	sne.s32 s30, $0x32  }
.Ltmp0:
0x64: {  	_ = 	snop;
	(pc) =	sbr.rel @p0 .LBB2_3-.Ltmp0, $2  }
0x65: {  	_ =	sdelay $0x2  }
0x66: {  	s0 =	sadd.s32 $0x80, s0;
	s31 =	sadd.s32 $0x80, s31  }
0x67: {  	_ =	swait.ge [sflag:s23], $0x1400  }
0x68: {  	[sflag:s23] =	ssyncset.done $0x0  }
0x69: {  	[sflag:s23] =	ssyncadd.s32 $0xFFFFEC00  }
0x6a: {  	_ =	swait.ge [sflag:s24], $0x1400  }
0x6b: {  	[sflag:s24] =	ssyncset.done $0x0  }
0x6c: {  	s29 =	sadd.s32 $0x1, s29;
	[sflag:s24] =	ssyncadd.s32 $0xFFFFEC00  }
0x6d: {  	p0 =	sne.s32 s29, $0x5;
	_ =	swait.ge [sflag:s25], $0x1400  }
.Ltmp1:
0x6e: {  	[sflag:s25] =	ssyncset.done $0x0;
	(pc) =	sbr.rel @p0 .LBB2_2-.Ltmp1, $4  }
0x6f: {  	[sflag:s25] =	ssyncadd.s32 $0xFFFFEC00  }
0x70: {  	_ =	swait.ge [sflag:s26], $0x1400  }
0x71: {  	[sflag:s26] =	ssyncset.done $0x0  }
0x72: {  	[sflag:s26] =	ssyncadd.s32 $0xFFFFEC00  }
0x73: {  	s28 =	sadd.s32 $0x1, s28  }
0x74: {  	[bflag:$0x0] =	sbarrier.arrive $0xFFFF;
	p0 =	sne.s32 s28, s11  }
.Ltmp2:
0x75: {  	s0 =	rddreg [dreg:$0x4];
	(pc) =	sbr.rel @p0 .LBB2_1-.Ltmp2, $4  }
0x76: {  	[hbm:s0], [sflag:s8] =	dma.local [spmem:s12], $0x2800  }
0x77: {  	_ =	swait.ge [sflag:s13], $0x2800  }
0x78: {  	[sflag:s13] =	ssyncset.done $0x0  }
0x79: {  	[sflag:s13] =	ssyncadd.s32 $0xFFFFD800  }
0x7a: {  	_ =	sfence.sel $0x180000  }
0x7b: {  	[bflag:$0x0] =	sbarrier.arrive $0xFFFF  }
0x7c: {  	_ =	strace $0x9000004D  }
0x7d: {  	s0 =	stileid.u32;
	[bflag:$0x2] =	sbarrier.arrive $0xFFFF  }
0x7e: {  	p0 =	sne.s32 s0, $0x0;
	s0 =	rddreg [dreg:$0x2]  }
0x7f: {  	s0 =	sadd.s32 @!p0 $0x100000, s0  }
0x80: {  	[sflag:s0] =	ssyncadd.tile.s32 @!p0 $0x1;
	_ =	shalt  }
.Lfunc_end2:
_tile_overlayer_lowered:
.L_overlay_start_2:
0x81: {  	(tag) =	ssettag $0x2  }
0x82: {  	s0 =	rddreg [dreg:$0x0];
	s2 =	stileid.u32  }
0x83: {  	s1 =	rddreg [dreg:$0x1];
	p0 =	sne.s32 s2, $0x0  }
0x84: {  	s3 =	rddreg [dreg:$0x2];
	[bflag:$0x3] =	sbarrier.arrive $0xFFFF;
	s2 =	simm.s32 @!p0 $0x1C09  }
0x85: {  	[timem:s3], [sflag:s2] =	dma.local @!p0 [hbm:s0], s1  }
0x86: {  	s0 =	simm.s32 @!p0 $0x9  }
0x87: {  	_ =	swait.ge @!p0 [sflag:s0], s1  }
0x88: {  	s1 =	ssub.s32 @!p0 $0x0, s1;
	[sflag:s0] =	ssyncset.done @!p0 $0x0  }
0x89: {  	[sflag:s0] =	ssyncadd.s32 @!p0 s1  }
0x8a: {  	[bflag:$0x3] =	sbarrier.arrive $0xFFFF  }
0x8b: {  	_ =	shalt  }

// kernel: kernel.9.cloned.1.call-start
scs
__scs_entry_jumppad:
0x0: {  	(pc) =	sbr.rel $0x88, $3  }
0x1: {  	(tag) =	ssettag $0x0;
	lr =	simm.s32 $0x1  }
0x2: {  	[smem:$0x3F98] =	sst lr;
	_ =	strace $0xD0000000  }
0x3: {  	_ = 	snop  }
0x4: {  	_ = 	snop  }
0x5: {  	_ = 	snop  }
0x6: {  	_ = 	snop  }
0x7: {  	_ = 	snop  }
__scs_overlays_trampoline_lowered:
0x8: {  	[smem:$0x3FA7] =	sst s0  }
0x9: {  	[smem:$0x3FA8] =	sst s1  }
0xa: {  	[smem:$0x3FA9] =	sst s2  }
0xb: {  	[smem:$0x3FAA] =	sst s3  }
0xc: {  	[smem:$0x3FAB] =	sst s4  }
0xd: {  	[smem:$0x3FAC] =	sst s5  }
0xe: {  	[smem:$0x3FAD] =	sst s6  }
0xf: {  	[smem:$0x3FAE] =	sst s7  }
0x10: {  	[smem:$0x3FAF] =	sst s8  }
0x11: {  	[smem:$0x3FB0] =	sst s9;
	s0 =	simm.s32 @!p0 $0x0  }
0x12: {  	s1 =	sld [smem:$0x3F96];
	s0 =	simm.s32 @p0 $0x1  }
0x13: {  	[smem:$0x3FB1] =	sst s0;
	s0 =	simm.s32 @!p1 $0x0  }
0x14: {  	s2 =	sld [smem:$0x3F95];
	s0 =	simm.s32 @p1 $0x1  }
0x15: {  	[smem:$0x3FB2] =	sst s0;
	s0 =	simm.s32 @!p2 $0x0  }
0x16: {  	s3 =	sld [smem:$0x3FDB];
	s0 =	simm.s32 @p2 $0x1  }
0x17: {  	s4 =	simm.s32 $0x1BF5;
	[smem:$0x3FB4] =	sst s0  }
0x18: {  	s0 =	sld [smem:$0x3F97];
	_ =	swait.ge [sflag:s4], $0x0  }
0x19: {  	s7 =	sld [smem:$0x3F98]  }
0x1a: {  	s8 =	sadd.s32 $0xFFFFE003, lr  }
0x1b: {  	s9 =	sadd.s32 $0xFFFFFEF7, lr;
	s5 =	simm.s32 $0xFFFFFFFF;
	p2 =	slt.u32 s8, $0xFFFFF086  }
0x1c: {  	p1 =	slt.u32 s9, $0xF7A;
	s5 =	simm.s32 @!p2 $0x0  }
0x1d: {  	s5 =	simm.s32 @p1 $0x1;
	p0 =	seq.s32 s7, s2  }
0x1e: {  	s7 =	smul.u32 @!p0 $0xF7A, s2;
	p2 =	seq.s32 @!p0 s5, $0x0  }
0x1f: {  	s9 =	smul.u32 $0xF7A, s1;
	s8 =	simm.s32 @!p0 $0x1BF5;
	p2 =	por !p2, p0  }
0x20: {  	[sflag:s8] =	ssyncset.s32 @!p0 $0xFFFFF086;
	s6 =	sadd.s32 @!p0 s3, s7;
	s7 =	simm.s32 @!p0 $0x108  }
0x21: {  	s3 =	sadd.s32 s3, s9;
	s6 =	sadd.s32 @!p0 $0x88, s6;
	s7 =	simm.s32 @p2 $0x1082  }
0x22: {  	[simem:s7], [sflag:s8] =	dma.local @!p0 [hbm:s6], $0xF7A  }
0x23: {  	s9 =	sor.u32 $0xD0000000, s2;
	s6 =	simm.s32 $0x108;
	_ =	swait.ge @!p0 [sflag:s8], $0x0  }
0x24: {  	s3 =	sadd.s32 $0x88, s3;
	s6 =	simm.s32 @!p1 $0x1082;
	[sflag:s4] =	ssyncset.s32 $0xFFFFF086  }
0x25: {  	[simem:s6], [sflag:s4] =	dma.local [hbm:s3], $0xF7A  }
0x26: {  	[smem:$0x3F98] =	sst s1;
	(tag) =	ssettag s2;
	_ =	strace s9  }
0x27: {  	s1 =	sld [smem:$0x3FA8]  }
0x28: {  	s2 =	sld [smem:$0x3FA9]  }
0x29: {  	s4 =	sld [smem:$0x3FAB]  }
0x2a: {  	p0 =	seq.s32 s5, $0x0;
	s5 =	sld [smem:$0x3FAC]  }
0x2b: {  	s6 =	sld [smem:$0x3FAD]  }
0x2c: {  	s7 =	sld [smem:$0x3FAE]  }
0x2d: {  	s3 =	simm.s32 $0x108;
	s8 =	sld [smem:$0x3FAF]  }
0x2e: {  	s3 =	simm.s32 @!p0 $0x1082;
	s9 =	sld [smem:$0x3FB0]  }
0x2f: {  	lr =	sadd.s32 s0, s3;
	s0 =	sld [smem:$0x3FA7]  }
0x30: {  	s3 =	sld [smem:$0x3FAA]  }
0x31: {  	[smem:$0x3FB3] =	sst s10  }
0x32: {  	s10 =	sld [smem:$0x3FB1];
	_ =	sdelay $0x3  }
0x33: {  	p0 =	seq.s32 s10, $0x1;
	s10 =	sld [smem:$0x3FB3];
	_ =	sdelay $0x3  }
0x34: {  	[smem:$0x3FB3] =	sst s10  }
0x35: {  	s10 =	sld [smem:$0x3FB2];
	_ =	sdelay $0x3  }
0x36: {  	p1 =	seq.s32 s10, $0x1;
	s10 =	sld [smem:$0x3FB3];
	_ =	sdelay $0x3  }
0x37: {  	[smem:$0x3FB3] =	sst s10  }
0x38: {  	s10 =	sld [smem:$0x3FB4]  }
0x39: {  	_ = 	snop;
	(pc) =	sbr.ind lr, $3  }
0x3a: {  	_ = 	snop  }
0x3b: {  	_ = 	snop  }
0x3c: {  	p2 =	seq.s32 s10, $0x1;
	s10 =	sld [smem:$0x3FB3]  }
0x3d: {  	_ =	shalt  }
0x3e: {  	_ =	shalt  }
0x3f: {  	_ =	shalt  }
0x40: {  	_ =	shalt  }
0x41: {  	_ =	shalt  }
0x42: {  	_ =	shalt  }
0x43: {  	_ =	shalt  }
0x44: {  	_ =	shalt  }
0x45: {  	_ =	shalt  }
0x46: {  	_ =	shalt  }
0x47: {  	_ =	shalt  }
0x48: {  	_ =	shalt  }
0x49: {  	_ =	shalt  }
0x4a: {  	_ =	shalt  }
0x4b: {  	_ =	shalt  }
0x4c: {  	_ =	shalt  }
0x4d: {  	_ =	shalt  }
0x4e: {  	_ =	shalt  }
0x4f: {  	_ =	shalt  }
0x50: {  	_ =	shalt  }
0x51: {  	_ =	shalt  }
0x52: {  	_ =	shalt  }
0x53: {  	_ =	shalt  }
0x54: {  	_ =	shalt  }
0x55: {  	_ =	shalt  }
0x56: {  	_ =	shalt  }
0x57: {  	_ =	shalt  }
0x58: {  	_ =	shalt  }
0x59: {  	_ =	shalt  }
0x5a: {  	_ =	shalt  }
0x5b: {  	_ =	shalt  }
0x5c: {  	_ =	shalt  }
0x5d: {  	_ =	shalt  }
0x5e: {  	_ =	shalt  }
0x5f: {  	_ =	shalt  }
0x60: {  	_ =	shalt  }
0x61: {  	_ =	shalt  }
0x62: {  	_ =	shalt  }
0x63: {  	_ =	shalt  }
0x64: {  	_ =	shalt  }
0x65: {  	_ =	shalt  }
0x66: {  	_ =	shalt  }
0x67: {  	_ =	shalt  }
0x68: {  	_ =	shalt  }
0x69: {  	_ =	shalt  }
0x6a: {  	_ =	shalt  }
0x6b: {  	_ =	shalt  }
0x6c: {  	_ =	shalt  }
0x6d: {  	_ =	shalt  }
0x6e: {  	_ =	shalt  }
0x6f: {  	_ =	shalt  }
0x70: {  	_ =	shalt  }
0x71: {  	_ =	shalt  }
0x72: {  	_ =	shalt  }
0x73: {  	_ =	shalt  }
0x74: {  	_ =	shalt  }
0x75: {  	_ =	shalt  }
0x76: {  	_ =	shalt  }
0x77: {  	_ =	shalt  }
0x78: {  	_ =	shalt  }
0x79: {  	_ =	shalt  }
0x7a: {  	_ =	shalt  }
0x7b: {  	_ =	shalt  }
0x7c: {  	_ =	shalt  }
0x7d: {  	_ =	shalt  }
0x7e: {  	_ =	shalt  }
0x7f: {  	_ =	shalt  }
0x80: {  	_ =	shalt  }
0x81: {  	_ =	shalt  }
0x82: {  	_ =	shalt  }
0x83: {  	_ =	shalt  }
0x84: {  	_ =	shalt  }
0x85: {  	_ =	shalt  }
0x86: {  	_ =	shalt  }
0x87: {  	_ =	shalt  }
.Lfunc_end0:
.L_simem_size_0:
called_computation_lowered:
.L_overlay_start_0:
0x88: {  	s2 =	sld [smem:$0x3FD9]  }
0x89: {  	s3 =	sld [smem:$0x3FFE];
	_ =	sdelay $0x1  }
0x8a: {  	s1 =	srdreg.scid  }
0x8b: {  	s0 =	sand.u32 $0x1, s1  }
0x8c: {  	s16 =	sshll.u32 s0, $0xA;
	s2 =	sadd.s32 s3, s2  }
0x8d: {  	s2 =	sadd.s32 s2, s16  }
0x8e: {  	[smem:$0x3FBF] =	sst s2  }
0x8f: {  	_ = 	snop  }
0x90: {  	(tm) =	ssettm $0x1  }
0x91: {  	s17 =	sld [smem:$0x3FFB];
	_ =	sdelay $0x3  }
0x92: {  	_ =	strace s17  }
0x93: {  	s2 =	sld [smem:$0x3FFC];
	_ =	sdelay $0x3  }
0x94: {  	_ =	strace s2  }
0x95: {  	s2 =	sld [smem:$0x3FFD];
	_ =	sdelay $0x3  }
0x96: {  	_ =	strace s2  }
0x97: {  	_ =	strace $0x8FFFFFFF  }
0x98: {  	s18 =	sld [smem:$0x3FDB];
	_ =	sdelay $0x1  }
0x99: {  	s19 =	simm.s32 $_scs_section_size  }
0x9a: {  	s4 =	simm.s32 $_size__tile_overlayer_lowered;
	s5 =	simm.s32 $_tile_overlayer_lowered  }
0x9b: {  	s22 =	simm.s32 $0x1BFF;
	s21 =	sshll.u32 s5, $0x1;
	s2 =	sadd.s32 s19, s18  }
0x9c: {  	s6 =	simm.s32 $0x0;
	s20 =	sshll.u32 s4, $0x1;
	s4 =	sadd.s32 s21, s2  }
0x9d: {  	[timem:s6], [sflag:s22] =	dma.local [hbm:s4], s20  }
0x9e: {  	_ =	swait.ge [sflag:s22], s20  }
0x9f: {  	s3 =	ssub.s32 $0x0, s20;
	[sflag:s22] =	ssyncset.done $0x0  }
0xa0: {  	[sflag:s22] =	ssyncadd.s32 s3;
	_ =	sdelay $0x1  }
0xa1: {  	s23 =	simm.s32 $0x1B8B  }
0xa2: {  	_ =	swait.ge [sflag:s23], $0x1  }
0xa3: {  	[sflag:s23] =	ssyncset.done $0x0  }
0xa4: {  	s25 =	simm.s32 $0x1B8E;
	s24 =	sld [smem:$0x3FFE];
	[sflag:s23] =	ssyncadd.s32 $0xFFFFFFFF  }
0xa5: {  	s26 =	simm.s32 $execute0_lowered;
	[smem:$0x3FD2] =	sst s25  }
0xa6: {  	s4 =	sshll.u32 s26, $0x1;
	_ =	strace $0x80000046;
	[dreg:$0x1] =	wrdreg $0xFFFFFFFF  }
0xa7: {  	s28 =	simm.s32 $_size_execute0_lowered;
	s2 =	sadd.s32 s2, s4;
	[dreg:$0x0] =	wrdreg $0x0  }
0xa8: {  	s4 =	sshll.u32 s28, $0x1;
	[dreg:$0x2] =	wrdreg s2  }
0xa9: {  	[dreg:$0x3] =	wrdreg s4  }
0xaa: {  	[dreg:$0x4] =	wrdreg $0xC0  }
0xab: {  	_ =	task [dreg:s6], $0x5FFFF  }
0xac: {  	[dreg:$0x1] =	wrdreg $0xFFFFFFFF  }
0xad: {  	[dreg:$0x0] =	wrdreg $0x60  }
0xae: {  	[dreg:$0x2] =	wrdreg s24  }
0xaf: {  	[dreg:$0x3] =	wrdreg $0x9  }
0xb0: {  	_ =	task.clear_ibuf [dreg:s6], $0x4FFFF;
	_ =	strace $0x90000046  }
0xb1: {  	s29 =	simm.s32 $0x9;
	_ =	strace $0x80000048  }
0xb2: {  	_ =	swait.ge [sflag:s29], $0x1  }
0xb3: {  	[sflag:s29] =	ssyncadd.s32 $0xFFFFFFFF  }
0xb4: {  	_ =	strace $0x90000048  }
0xb5: {  	_ =	sfence  }
0xb6: {  	s30 =	sld [smem:$0x0];
	_ =	sdelay $0x2  }
0xb7: {  	s31 =	sshll.u32 s1, $0xD;
	s1 =	sshrl.u32 s1, $0x2  }
0xb8: {  	s3 =	sand.u32 $0x4000, s31;
	s1 =	sadd.s32 s1, s30  }
0xb9: {  	s0 =	sor.u32 s3, s0;
	s1 =	sshll.u32 s1, $0x11  }
0xba: {  	s0 =	sor.u32 s1, s0  }
0xbb: {  	s0 =	sadd.s32 $0x8F2B, s0  }
0xbc: {  	[sflag:s0] =	ssyncadd.remote.s32 $0x1  }
0xbd: {  	_ =	sfence.sel $0xFFFF  }
0xbe: {  	[dreg:$0x0] =	wrdreg $0xFFFFFFFF;
	(pc) =	sbr.abs _section_cstart, $3  }
0xbf: {  	[dreg:$0x1] =	wrdreg $0xFFFFFFFF  }
0xc0: {  	_ =	task.clear_ibuf [dreg:s6], $0x2FFFF;
	_ =	strace $0x9FFFFFFF  }
0xc1: {  	(tm) =	ssettm $0x7FFFFFFF  }
tec
execute0_lowered:
.L_overlay_start_1:
0x0: {  	(tag) =	ssettag $0x1  }
0x1: {  	s1 =	srdreg.scid  }
0x2: {  	s0 =	stileid.u32;
	s4 =	rddreg [dreg:$0x0];
	s8 =	simm.s32 $0x1  }
0x3: {  	s9 =	simm.s32 $0x80;
	s10 =	simm.s32 $0x400;
	s11 =	simm.s32 $0x0  }
0x4: {  	s3 =	sand.u32 $0x1, s1;
	s2 =	sshll.u32 s0, $0x1;
	s1 =	rddreg [dreg:$0x1]  }
0x5: {  	s6 =	sshrl.u32 s0, $0x2;
	s5 =	sor.u32 s3, s2;
	s2 =	simm.s32 $0x0  }
0x6: {  	s6 =	smul.u32 $0x13C00, s6;
	s30 =	ssub.s32 $0x2, s3;
	s7 =	sshll.u32 s5, $0x7  }
0x7: {  	s3 =	sadd.s32 $0xC400, s4;
	s5 =	smul.u32 $0x4E2, s5;
	s7 =	sand.u32 $0x380, s7  }
0x8: {  	[smem:$0x7FF] =	sst s2;
	s31 =	sshrl.u32 s30, $0x1;
	s6 =	sor.u32 s6, s7  }
0x9: {  	_ =	strace $0x80000047;
	s5 =	sadd.s32 s5, s4;
	s6 =	sshrl.u32 s6, $0x3  }
0xa: {  	s7 =	ssub.s32 s30, s31;
	s6 =	sadd.s32 s6, s4;
	s4 =	sadd.s32 $0x2600, s5  }
0xb: {  	v0 =	vimm.f32 $1.000000000e+00;
	s5 =	sadd.s32 $0xCA00, s6;
	s6 =	smax.u32 s7, $0x1;
	s7 =	simm.s32 $0x2780  }
.LBB2_1:
0xc: {  	[tilespmem:s7], [sflag:$0x1] =	stream.linear.gather [hbm4b:s3+s2], $0x2780, $0x38;
	[tilespmem:$0x4F00] =	vst v63  }
0xd: {  	_ =	swait.ge [sflag:s8], $0x2780  }
0xe: {  	[sflag:s8] =	ssyncset.done $0x0  }
0xf: {  	[sflag:s8] =	ssyncadd.s32 $0xFFFFD880  }
0x10: {  	[tilespmem:s2], [sflag:$0x1] =	stream.linear.gather [hbm4b:s4+s2], $0x2710, $0x38;
	[tilespmem:$0x4F00] =	vst v63  }
0x11: {  	_ =	swait.ge [sflag:s8], $0x2710  }
0x12: {  	[sflag:s8] =	ssyncset.done $0x0  }
0x13: {  	s12 =	simm.s32 $0xFFFFFFF8;
	s13 =	simm.s32 $0x40;
	[sflag:s8] =	ssyncadd.s32 $0xFFFFD8F0  }
.LBB2_2:
0x14: {  	v1 =	vld [tilespmem:s13+$0xFFFFFFC0];
	_ =	sdelay $0x7  }
0x15: {  	[tilespmem:v1+s7+$0x0] =	vst.idx.add.f32.msk $0xffff, v0  }
0x16: {  	v1 =	vld [tilespmem:s13+$0xFFFFFFD0];
	_ =	sdelay $0x7  }
0x17: {  	[tilespmem:v1+s7+$0x0] =	vst.idx.add.f32.msk $0xffff, v0  }
0x18: {  	v1 =	vld [tilespmem:s13+$0xFFFFFFE0];
	_ =	sdelay $0x7  }
0x19: {  	[tilespmem:v1+s7+$0x0] =	vst.idx.add.f32.msk $0xffff, v0  }
0x1a: {  	v1 =	vld [tilespmem:s13+$0xFFFFFFF0];
	_ =	sdelay $0x7  }
0x1b: {  	[tilespmem:v1+s7+$0x0] =	vst.idx.add.f32.msk $0xffff, v0  }
0x1c: {  	v1 =	vld [tilespmem:s13+$0x0];
	_ =	sdelay $0x7  }
0x1d: {  	[tilespmem:v1+s7+$0x0] =	vst.idx.add.f32.msk $0xffff, v0  }
0x1e: {  	v1 =	vld [tilespmem:s13+$0x10];
	_ =	sdelay $0x7  }
0x1f: {  	[tilespmem:v1+s7+$0x0] =	vst.idx.add.f32.msk $0xffff, v0  }
0x20: {  	v1 =	vld [tilespmem:s13+$0x20];
	_ =	sdelay $0x7  }
0x21: {  	[tilespmem:v1+s7+$0x0] =	vst.idx.add.f32.msk $0xffff, v0  }
0x22: {  	v1 =	vld [tilespmem:s13+$0x30];
	_ =	sdelay $0x1  }
0x23: {  	s12 =	sadd.s32 $0x8, s12  }
0x24: {  	p0 =	slt.u32 s12, $0x268  }
.Ltmp0:
0x25: {  	_ = 	snop;
	(pc) =	sbr.rel @p0 .LBB2_2-.Ltmp0, $2  }
0x26: {  	_ =	sdelay $0x2  }
0x27: {  	s13 =	sadd.s32 $0x80, s13;
	[tilespmem:v1+s7+$0x0] =	vst.idx.add.f32.msk $0xffff, v0  }
0x28: {  	v1 =	vld [tilespmem:$0x2700];
	_ =	sdelay $0x5  }
0x29: {  	s11 =	sadd.s32 $0x1, s11  }
0x2a: {  	p0 =	sne.s32 s11, s6  }
.Ltmp1:
0x2b: {  	[tilespmem:v1+s7+$0x0] =	vst.idx.add.f32.msk $0xffff, v0;
	(pc) =	sbr.rel @p0 .LBB2_1-.Ltmp1, $4  }
0x2c: {  	[hbm4b:s5+s9] =	stream.strided.scatter [tilespmem:s7], [sflag:$0x1], $0x2780, s10, s9, $0x38;
	[tilespmem:$0x4F00] =	vst v63  }
0x2d: {  	_ =	swait.ge [sflag:s8], $0x2780  }
0x2e: {  	[sflag:s8] =	ssyncset.done $0x0  }
0x2f: {  	[sflag:s8] =	ssyncadd.s32 $0xFFFFD880  }
0x30: {  	_ =	sfence.sel $0x180000  }
0x31: {  	[bflag:$0x0] =	sbarrier.arrive $0xFFFF  }
0x32: {  	p0 =	sne.s32 s0, $0x0;
	_ =	strace $0x90000047  }
0x33: {  	s0 =	sadd.s32 @!p0 $0x100000, s1;
	[bflag:$0x2] =	sbarrier.arrive $0xFFFF  }
0x34: {  	[sflag:s0] =	ssyncadd.tile.s32 @!p0 $0x1;
	_ =	shalt  }
.Lfunc_end2:
_tile_overlayer_lowered:
.L_overlay_start_2:
0x35: {  	(tag) =	ssettag $0x2  }
0x36: {  	s0 =	rddreg [dreg:$0x0];
	s2 =	stileid.u32  }
0x37: {  	s1 =	rddreg [dreg:$0x1];
	p0 =	sne.s32 s2, $0x0  }
0x38: {  	s3 =	rddreg [dreg:$0x2];
	[bflag:$0x3] =	sbarrier.arrive $0xFFFF;
	s2 =	simm.s32 @!p0 $0x1C01  }
0x39: {  	[timem:s3], [sflag:s2] =	dma.local @!p0 [hbm:s0], s1  }
0x3a: {  	s0 =	simm.s32 @!p0 $0x1  }
0x3b: {  	_ =	swait.ge @!p0 [sflag:s0], s1  }
0x3c: {  	s1 =	ssub.s32 @!p0 $0x0, s1;
	[sflag:s0] =	ssyncset.done @!p0 $0x0  }
0x3d: {  	[sflag:s0] =	ssyncadd.s32 @!p0 s1  }
0x3e: {  	[bflag:$0x3] =	sbarrier.arrive $0xFFFF  }
0x3f: {  	_ =	shalt  }

</sc_bundles>
